<compile_context>
chip_gen: v7x
topology: tpu7x:2x2x1
jax: 0.10.2.dev20260603
libtpu: 0.0.44.dev20260713+nightly
codegen_flags: <defaults>
</compile_context>

<pallas_src>
import functools

import jax
import jax.numpy as jnp
from jax import lax
from jax.experimental import pallas as pl
from jax.experimental.pallas import tpu as pltpu
from jax.experimental.pallas import tpu_sc as plsc

B = 4
N = 4096
NPOINT = 1024
K = 16
IN_DIM = 128
OUT_DIM = 256
EPS = 1e-5
CP = 144
ROWS = B * NPOINT * K
NW = 32
RPW = ROWS // NW
CH = 128
NCH = RPW // CH
R = 2048
QB = R // K
_TPB = NPOINT * K // R
TQ = 256



def _fps_body(xyz12_ref, nxc_ref):
    xyz12 = xyz12_ref[...]
    x = xyz12[0:B, :]
    y = xyz12[B:2 * B, :]
    z = xyz12[2 * B:3 * B, :]
    lane = lax.broadcasted_iota(jnp.int32, (B, N), 1)
    lane12 = lax.broadcasted_iota(jnp.int32, (3 * B, N), 1)
    lp_c = lax.broadcasted_iota(jnp.int32, (B, 3, NPOINT), 2)

    def step(i, carry):
        dists, far, nxc = carry
        far12 = jnp.concatenate([far, far, far], axis=0)
        c12 = jnp.sum(jnp.where(lane12 == far12, xyz12, 0.0),
                      axis=1, keepdims=True)
        cx = c12[0:B]
        cy = c12[B:2 * B]
        cz = c12[2 * B:3 * B]
        c3 = jnp.concatenate([cx, cy, cz], axis=1)
        nxc = jnp.where(lp_c == i, c3[:, :, None], nxc)
        dx = x - cx
        dy = y - cy
        dz = z - cz
        d = (dx * dx + dy * dy) + dz * dz
        dists = jnp.minimum(dists, d)
        m = jnp.max(dists, axis=1, keepdims=True)
        far = jnp.min(jnp.where(dists == m, lane, N), axis=1, keepdims=True)
        return dists, far, nxc

    dists0 = jnp.full((B, N), 1e10, jnp.float32)
    far0 = jnp.zeros((B, 1), jnp.int32)
    nxc0 = jnp.zeros((B, 3, NPOINT), jnp.float32)
    _, _, nxc = lax.fori_loop(0, NPOINT, step, (dists0, far0, nxc0))
    nxc_ref[...] = nxc


def _run_fps(xyz):
    xyz12 = jnp.transpose(xyz, (1, 0, 2)).reshape(3 * B, N)
    nxc = pl.pallas_call(
        _fps_body,
        out_shape=jax.ShapeDtypeStruct((B, 3, NPOINT), jnp.float32),
    )(xyz12)
    return nxc, jnp.transpose(nxc, (0, 2, 1))



def _knn_body(nxr_ref, xyz_ref, idx_ref):
    b = pl.program_id(0)
    q = nxr_ref[0]
    a = xyz_ref[0]
    x = a[0:1, :]
    y = a[1:2, :]
    z = a[2:3, :]
    dx = q[:, 0:1] - x
    dy = q[:, 1:2] - y
    dz = q[:, 2:3] - z
    d2 = (dx * dx + dy * dy) + dz * dz
    lane = lax.broadcasted_iota(jnp.int32, (TQ, N), 1)
    base = b * N
    ams = []
    for k in range(K):
        m = jnp.min(d2, axis=1, keepdims=True)
        am = jnp.min(jnp.where(d2 == m, lane, N), axis=1, keepdims=True)
        ams.append(am)
        d2 = jnp.where(lane == am, jnp.float32(jnp.inf), d2)
    idx_ref[0] = jnp.concatenate(ams, axis=1) + base


def _run_knn(nxr, xyz):
    return pl.pallas_call(
        _knn_body,
        grid=(B, NPOINT // TQ),
        in_specs=[
            pl.BlockSpec((1, TQ, 3), lambda b, t: (b, t, 0)),
            pl.BlockSpec((1, 3, N), lambda b, t: (b, 0, 0)),
        ],
        out_specs=pl.BlockSpec((1, TQ, K), lambda b, t: (b, t, 0)),
        out_shape=jax.ShapeDtypeStruct((B, NPOINT, K), jnp.int32),
    )(nxr, xyz)



NT = 512


def _format_body(xyz_ref, pts_ref, tab_ref):
    x3 = xyz_ref[0]
    p = pts_ref[0]
    pad = jnp.zeros((NT, CP - 3 - IN_DIM), jnp.float32)
    tab_ref[...] = jnp.concatenate([x3.T, p.T, pad], axis=1)


def _run_format(xyz, points):
    return pl.pallas_call(
        _format_body,
        grid=(B, N // NT),
        in_specs=[
            pl.BlockSpec((1, 3, NT), lambda b, t: (b, 0, t)),
            pl.BlockSpec((1, IN_DIM, NT), lambda b, t: (b, 0, t)),
        ],
        out_specs=pl.BlockSpec(
            (NT, CP), lambda b, t: (b * (N // NT) + t, 0)),
        out_shape=jax.ShapeDtypeStruct((B * N, CP), jnp.float32),
    )(xyz, points)



def _sc_gather_body(table_hbm, idx_hbm, out_hbm, idx_v, buf0, buf1, sem0, sem1):
    c = lax.axis_index("c")
    s = lax.axis_index("s")
    wid = s * 2 + c
    pltpu.sync_copy(idx_hbm.at[pl.ds(wid * NCH, NCH)], idx_v)
    bufs = (buf0, buf1)
    sems = (sem0, sem1)
    descs = [None, None]
    descs[0] = pltpu.async_copy(table_hbm.at[idx_v.at[0]], buf0, sem0)
    for j in range(NCH):
        cur = j % 2
        if j + 1 < NCH:
            nxt = (j + 1) % 2
            descs[nxt] = pltpu.async_copy(
                table_hbm.at[idx_v.at[j + 1]], bufs[nxt], sems[nxt])
        descs[cur].wait()
        pltpu.sync_copy(bufs[cur], out_hbm.at[pl.ds(wid * RPW + j * CH, CH)])


@functools.cache
def _sc_gather_call():
    mesh = plsc.VectorSubcoreMesh(
        core_axis_name="c", subcore_axis_name="s", num_cores=2, num_subcores=16)
    return pl.kernel(
        _sc_gather_body,
        out_type=jax.ShapeDtypeStruct((ROWS, CP), jnp.float32),
        mesh=mesh,
        scratch_types=[
            pltpu.VMEM((NCH, CH), jnp.int32),
            pltpu.VMEM((CH, CP), jnp.float32),
            pltpu.VMEM((CH, CP), jnp.float32),
            pltpu.SemaphoreType.DMA,
            pltpu.SemaphoreType.DMA,
        ],
        compiler_params=pltpu.CompilerParams(use_tc_tiling_on_sc=False),
    )


def _gather_rows(table, idxf):
    return _sc_gather_call()(table, idxf.reshape(ROWS // CH, CH))



def _passA_body(g_ref, nx_ref, w1_ref, w1x_ref, b1_ref, y1_ref, gn_ref, st_ref):
    i = pl.program_id(0)
    g = g_ref[...]
    nx = nx_ref[...]
    nxe = jnp.broadcast_to(nx[:, None, :], (QB, K, 3)).reshape(R, 3)
    gn = g[:, 0:3] - nxe
    gn_ref[0] = gn.T.reshape(3, QB, K)
    y = jnp.dot(g, w1_ref[...], preferred_element_type=jnp.float32)
    corr = jnp.dot(nx, w1x_ref[...], preferred_element_type=jnp.float32)
    corre = jnp.broadcast_to(
        corr[:, None, :], (QB, K, IN_DIM)).reshape(R, IN_DIM)
    y = y - corre + b1_ref[...]
    y1_ref[...] = y

    @pl.when(i == 0)
    def _():
        st_ref[...] = jnp.zeros_like(st_ref)

    st_ref[0:1, :] += jnp.sum(y, axis=0, keepdims=True)
    st_ref[1:2, :] += jnp.sum(y * y, axis=0, keepdims=True)


def _run_passA(g, nxq, w1t, w1xt, b1r):
    return pl.pallas_call(
        _passA_body,
        grid=(ROWS // R,),
        in_specs=[
            pl.BlockSpec((R, CP), lambda i: (i, 0)),
            pl.BlockSpec((QB, 3), lambda i: (i, 0)),
            pl.BlockSpec((CP, IN_DIM), lambda i: (0, 0)),
            pl.BlockSpec((3, IN_DIM), lambda i: (0, 0)),
            pl.BlockSpec((1, IN_DIM), lambda i: (0, 0)),
        ],
        out_specs=(
            pl.BlockSpec((R, IN_DIM), lambda i: (i, 0)),
            pl.BlockSpec((1, 3, QB, K), lambda i: (i // _TPB, 0, i % _TPB, 0)),
            pl.BlockSpec((8, IN_DIM), lambda i: (0, 0)),
        ),
        out_shape=(
            jax.ShapeDtypeStruct((ROWS, IN_DIM), jnp.float32),
            jax.ShapeDtypeStruct((B, 3, NPOINT, K), jnp.float32),
            jax.ShapeDtypeStruct((8, IN_DIM), jnp.float32),
        ),
    )(g, nxq, w1t, w1xt, b1r)


def _bn_coeffs(st_ref, gamma_ref, beta_ref):
    mean = st_ref[0:1, :] * (1.0 / ROWS)
    var = st_ref[1:2, :] * (1.0 / ROWS) - mean * mean
    a = gamma_ref[...] * lax.rsqrt(var + EPS)
    c = beta_ref[...] - mean * a
    return a, c


def _passB_body(y1_ref, st_ref, g1_ref, be1_ref, w2_ref, b2_ref, y2_ref, st2_ref):
    i = pl.program_id(0)
    a, c = _bn_coeffs(st_ref, g1_ref, be1_ref)
    h = jnp.maximum(y1_ref[...] * a + c, 0.0)
    y = jnp.dot(h, w2_ref[...], preferred_element_type=jnp.float32)
    y = y + b2_ref[...]
    y2_ref[...] = y

    @pl.when(i == 0)
    def _():
        st2_ref[...] = jnp.zeros_like(st2_ref)

    st2_ref[0:1, :] += jnp.sum(y, axis=0, keepdims=True)
    st2_ref[1:2, :] += jnp.sum(y * y, axis=0, keepdims=True)


def _run_passB(y1, st1, g1r, be1r, w2t, b2r):
    return pl.pallas_call(
        _passB_body,
        grid=(ROWS // R,),
        in_specs=[
            pl.BlockSpec((R, IN_DIM), lambda i: (i, 0)),
            pl.BlockSpec((8, IN_DIM), lambda i: (0, 0)),
            pl.BlockSpec((1, IN_DIM), lambda i: (0, 0)),
            pl.BlockSpec((1, IN_DIM), lambda i: (0, 0)),
            pl.BlockSpec((IN_DIM, OUT_DIM), lambda i: (0, 0)),
            pl.BlockSpec((1, OUT_DIM), lambda i: (0, 0)),
        ],
        out_specs=(
            pl.BlockSpec((R, OUT_DIM), lambda i: (i, 0)),
            pl.BlockSpec((8, OUT_DIM), lambda i: (0, 0)),
        ),
        out_shape=(
            jax.ShapeDtypeStruct((ROWS, OUT_DIM), jnp.float32),
            jax.ShapeDtypeStruct((8, OUT_DIM), jnp.float32),
        ),
    )(y1, st1, g1r, be1r, w2t, b2r)


def _passC_body(y2_ref, st_ref, g2_ref, be2_ref, np_ref, pool_ref):
    a, c = _bn_coeffs(st_ref, g2_ref, be2_ref)
    z = jnp.maximum(y2_ref[...] * a + c, 0.0)
    np_ref[0] = z.T
    pool_ref[0] = jnp.max(z.reshape(QB, K, OUT_DIM), axis=1).T


def _run_passC(y2, st2, g2r, be2r):
    return pl.pallas_call(
        _passC_body,
        grid=(ROWS // R,),
        in_specs=[
            pl.BlockSpec((R, OUT_DIM), lambda i: (i, 0)),
            pl.BlockSpec((8, OUT_DIM), lambda i: (0, 0)),
            pl.BlockSpec((1, OUT_DIM), lambda i: (0, 0)),
            pl.BlockSpec((1, OUT_DIM), lambda i: (0, 0)),
        ],
        out_specs=(
            pl.BlockSpec((1, OUT_DIM, R), lambda i: (i // _TPB, 0, i % _TPB)),
            pl.BlockSpec((1, OUT_DIM, QB), lambda i: (i // _TPB, 0, i % _TPB)),
        ),
        out_shape=(
            jax.ShapeDtypeStruct((B, OUT_DIM, NPOINT * K), jnp.float32),
            jax.ShapeDtypeStruct((B, OUT_DIM, NPOINT), jnp.float32),
        ),
    )(y2, st2, g2r, be2r)



def kernel(xyz, points, W1, b1, gamma1, beta1, W2, b2, gamma2, beta2):
    table = _run_format(xyz, points)

    nxc, nxr = _run_fps(xyz)
    idxf = _run_knn(nxr, xyz)
    g = _gather_rows(table, idxf.reshape(-1))

    nxq = nxr.reshape(B * NPOINT, 3)
    w1t = jnp.pad(W1.T, ((0, CP - (IN_DIM + 3)), (0, 0)))
    w1xt = W1[:, 0:3].T
    y1, gn, st1 = _run_passA(
        g, nxq, w1t, w1xt, b1.reshape(1, IN_DIM))

    y2, st2 = _run_passB(
        y1, st1, gamma1.reshape(1, IN_DIM), beta1.reshape(1, IN_DIM),
        W2.T, b2.reshape(1, OUT_DIM))

    np3, pool = _run_passC(
        y2, st2, gamma2.reshape(1, OUT_DIM), beta2.reshape(1, OUT_DIM))

    return (nxc, pool, gn, np3.reshape(B, OUT_DIM, NPOINT, K))

# --- scband reference (transcript-rebuilt; emitter-appended) ---
"""Pipeline reference for scband-tdlayer-2551210574392 (READ-ONLY COPY).

The authoritative reference and input builder live on the scoring server;
editing this copy changes nothing except your own understanding.
"""

import jax, jax.numpy as jnp
import numpy as np

B = 4
N = 4096
NPOINT = 1024
K = 16
IN_DIM = 128
OUT_DIM = 256
EPS = 1e-5


def setup_inputs(seed: int = 0) -> dict:
    key = jax.random.key(seed)
    ks = jax.random.split(key, 8)
    xyz = jax.random.normal(ks[0], (B, 3, N), dtype=jnp.float32)
    points = jax.random.normal(ks[1], (B, IN_DIM, N), dtype=jnp.float32)
    # conv1: Conv2d(IN_DIM+3 -> IN_DIM, 1x1)
    W1 = jax.random.normal(ks[2], (IN_DIM, IN_DIM + 3), dtype=jnp.float32) * 0.05
    b1 = jnp.zeros((IN_DIM,), dtype=jnp.float32)
    gamma1 = jnp.ones((IN_DIM,), dtype=jnp.float32)
    beta1 = jnp.zeros((IN_DIM,), dtype=jnp.float32)
    # conv2: Conv2d(IN_DIM -> OUT_DIM, 1x1)
    W2 = jax.random.normal(ks[3], (OUT_DIM, IN_DIM), dtype=jnp.float32) * 0.05
    b2 = jnp.zeros((OUT_DIM,), dtype=jnp.float32)
    gamma2 = jnp.ones((OUT_DIM,), dtype=jnp.float32)
    beta2 = jnp.zeros((OUT_DIM,), dtype=jnp.float32)
    return {"xyz": xyz, "points": points, "W1": W1, "b1": b1, "gamma1": gamma1,
            "beta1": beta1, "W2": W2, "b2": b2, "gamma2": gamma2, "beta2": beta2}


def _fps(xyz_t, npoint):
    # xyz_t: [B, N, 3] -> idx [B, npoint] (farthest point sampling, start at index 0)
    b, n, _ = xyz_t.shape

    def body(i, state):
        dists, farthest, idxs = state
        idxs = idxs.at[:, i].set(farthest)
        centroid = jnp.take_along_axis(xyz_t, farthest[:, None, None], axis=1)  # [B,1,3]
        d = jnp.sum((xyz_t - centroid) ** 2, axis=-1)  # [B,N]
        dists = jnp.minimum(dists, d)
        farthest = jnp.argmax(dists, axis=-1).astype(jnp.int32)
        return (dists, farthest, idxs)

    dists0 = jnp.full((b, n), 1e10, dtype=jnp.float32)
    far0 = jnp.zeros((b,), dtype=jnp.int32)
    idxs0 = jnp.zeros((b, npoint), dtype=jnp.int32)
    _, _, idxs = jax.lax.fori_loop(0, npoint, body, (dists0, far0, idxs0))
    return idxs


def _conv_bn_relu(x, W, bias, gamma, beta):
    # 1x1 Conv2d + BatchNorm2d (training-mode batch stats) + ReLU
    y = jnp.einsum('oc,bcnk->bonk', W, x) + bias[None, :, None, None]
    m = jnp.mean(y, axis=(0, 2, 3), keepdims=True)
    v = jnp.var(y, axis=(0, 2, 3), keepdims=True)
    y = (y - m) / jnp.sqrt(v + EPS) * gamma[None, :, None, None] + beta[None, :, None, None]
    return jax.nn.relu(y)


def reference(xyz, points, W1, b1, gamma1, beta1, W2, b2, gamma2, beta2):
    # xyz: [B, 3, N]; points: [B, C, N]
    xyz_t = jnp.transpose(xyz, (0, 2, 1))  # [B, N, 3]
    fps_idx = _fps(xyz_t, NPOINT)  # [B, npoint]
    new_xyz = jnp.take_along_axis(xyz_t, fps_idx[:, :, None], axis=1)  # [B, npoint, 3]
    # kNN: for each sampled point, k nearest neighbors among all N points
    d2 = jnp.sum((new_xyz[:, :, None, :] - xyz_t[:, None, :, :]) ** 2, axis=-1)  # [B, npoint, N]
    _, idx = jax.lax.top_k(-d2, K)  # [B, npoint, K]
    # group xyz
    grouped_xyz = jax.vmap(lambda p, i: p[i])(xyz_t, idx)  # [B, npoint, K, 3]
    grouped_xyz_norm = grouped_xyz - new_xyz[:, :, None, :]
    grouped_xyz_norm = jnp.transpose(grouped_xyz_norm, (0, 3, 1, 2))  # [B, 3, npoint, K]
    # group features
    grouped_points = jax.vmap(lambda p, i: p[:, i])(points, idx)  # [B, C, npoint, K]
    new_points = jnp.concatenate([grouped_xyz_norm, grouped_points], axis=1)  # [B, C+3, npoint, K]
    new_points = _conv_bn_relu(new_points, W1, b1, gamma1, beta1)
    new_points = _conv_bn_relu(new_points, W2, b2, gamma2, beta2)
    new_points_pooled = jnp.max(new_points, axis=3)  # [B, OUT_DIM, npoint]
    new_xyz_out = jnp.transpose(new_xyz, (0, 2, 1))  # [B, 3, npoint]
    return (new_xyz_out, new_points_pooled, grouped_xyz_norm, new_points)

if __name__ == "__main__":
    import jax
    _d = setup_inputs()
    print(jax.jit(kernel)(*tuple(_d.values())))

</pallas_src>

<mosaic_0001>
#map = affine_map<(d0, d1) -> (0, 0)>
module attributes {stable_mosaic.version = 14 : i64} {
  func.func @_sc_gather_body(%arg0: i32, %arg1: i32, %arg2: memref<16384x144xf32, #tpu.memory_space<hbm>>, %arg3: memref<512x128xi32, #tpu.memory_space<hbm>>, %arg4: memref<65536x144xf32, #tpu.memory_space<hbm>>, %arg5: memref<16x128xi32, #tpu.memory_space<vmem>>, %arg6: memref<128x144xf32, #tpu.memory_space<vmem>>, %arg7: memref<128x144xf32, #tpu.memory_space<vmem>>, %arg8: memref<!tpu.dma_semaphore, #tpu.memory_space<semaphore_mem>>, %arg9: memref<!tpu.dma_semaphore, #tpu.memory_space<semaphore_mem>>) attributes {dimension_semantics = [#tpu.dimension_semantics<core_parallel>, #tpu.dimension_semantics<subcore_parallel>], iteration_bounds = array<i64: 2, 16>, scalar_prefetch = 0 : i64, scratch_operands = 5 : i64, tpu.core_type = #tpu.core_type<sc_vector_subcore>, window_params = [{transform_indices = #map}, {transform_indices = #map}, {transform_indices = #map}]} {
    %mul3A = arith.constant 2 : i32
    %mul3A_0 = arith.muli %arg1, %mul3A : i32
    %add3A = arith.addi %mul3A_0, %arg0 : i32
    %mul3A_1 = arith.constant 16 : i32
    %mul3A_2 = arith.muli %add3A, %mul3A_1 : i32
    "tpu.region"() ({
      %run_scoped3A = tpu.sem_alloc : memref<!tpu.dma_semaphore, #tpu.memory_space<semaphore_mem>>
      %dma_start3A_289 = arith.constant 0 : i32
      %dma_start3A_290 = tpu.memref_slice %arg3[%mul3A_2, %dma_start3A_289] : memref<512x128xi32, #tpu.memory_space<hbm>> -> memref<16x128xi32, #tpu.memory_space<hbm>>
      %dma_start3A_291 = arith.constant 0 : i32
      %dma_start3A_292 = tpu.memref_slice %arg3[%mul3A_2, %dma_start3A_291] : memref<512x128xi32, #tpu.memory_space<hbm>> -> memref<16x128xi32, #tpu.memory_space<hbm>>
      tpu.enqueue_dma source(%dma_start3A_292 : memref<16x128xi32, #tpu.memory_space<hbm>>) target(%arg5 : memref<16x128xi32, #tpu.memory_space<vmem>>) target_semaphore(%run_scoped3A : memref<!tpu.dma_semaphore, #tpu.memory_space<semaphore_mem>>)
      %dma_wait3A_293 = arith.constant 0 : i32
      %dma_wait3A_294 = tpu.memref_slice %arg3[%mul3A_2, %dma_wait3A_293] : memref<512x128xi32, #tpu.memory_space<hbm>> -> memref<16x128xi32, #tpu.memory_space<hbm>>
      %dma_wait3A_295 = arith.constant 0 : i32
      %dma_wait3A_296 = tpu.memref_slice %arg3[%mul3A_2, %dma_wait3A_295] : memref<512x128xi32, #tpu.memory_space<hbm>> -> memref<16x128xi32, #tpu.memory_space<hbm>>
      tpu.wait_dma2 semaphore(%run_scoped3A : memref<!tpu.dma_semaphore, #tpu.memory_space<semaphore_mem>>) src(%dma_wait3A_296 : memref<16x128xi32, #tpu.memory_space<hbm>>) dst(%arg5 : memref<16x128xi32, #tpu.memory_space<vmem>>)
      tpu.yield
    }) : () -> ()
    %dma_start3A = arith.constant 0 : i32
    %dma_start3A_3 = arith.constant 0 : i32
    %dma_start3A_4 = tpu.memref_slice %arg5[%dma_start3A, %dma_start3A_3] : memref<16x128xi32, #tpu.memory_space<vmem>> -> memref<1x128xi32, #tpu.memory_space<vmem>>
    %dma_start3A_5 = tpu.memref_squeeze %dma_start3A_4 : memref<1x128xi32, #tpu.memory_space<vmem>> -> memref<128xi32, #tpu.memory_space<vmem>>
    %dma_start3A_6 = arith.constant 0 : i32
    %dma_start3A_7 = arith.constant 0 : i32
    %dma_start3A_8 = tpu.memref_slice %arg2[%dma_start3A_6, %dma_start3A_7] : memref<16384x144xf32, #tpu.memory_space<hbm>> -> memref<16384x144xf32, #tpu.memory_space<hbm>>
    tpu.enqueue_indirect_dma source(%dma_start3A_8 : memref<16384x144xf32, #tpu.memory_space<hbm>>) target(%arg6 : memref<128x144xf32, #tpu.memory_space<vmem>>) offsets(%dma_start3A_5 : memref<128xi32, #tpu.memory_space<vmem>>) semaphore(%arg8 : memref<!tpu.dma_semaphore, #tpu.memory_space<semaphore_mem>>)
    %dma_start3A_9 = arith.constant 1 : i32
    %dma_start3A_10 = arith.constant 0 : i32
    %dma_start3A_11 = tpu.memref_slice %arg5[%dma_start3A_9, %dma_start3A_10] : memref<16x128xi32, #tpu.memory_space<vmem>> -> memref<1x128xi32, #tpu.memory_space<vmem>>
    %dma_start3A_12 = tpu.memref_squeeze %dma_start3A_11 : memref<1x128xi32, #tpu.memory_space<vmem>> -> memref<128xi32, #tpu.memory_space<vmem>>
    %dma_start3A_13 = arith.constant 0 : i32
    %dma_start3A_14 = arith.constant 0 : i32
    %dma_start3A_15 = tpu.memref_slice %arg2[%dma_start3A_13, %dma_start3A_14] : memref<16384x144xf32, #tpu.memory_space<hbm>> -> memref<16384x144xf32, #tpu.memory_space<hbm>>
    tpu.enqueue_indirect_dma source(%dma_start3A_15 : memref<16384x144xf32, #tpu.memory_space<hbm>>) target(%arg7 : memref<128x144xf32, #tpu.memory_space<vmem>>) offsets(%dma_start3A_12 : memref<128xi32, #tpu.memory_space<vmem>>) semaphore(%arg9 : memref<!tpu.dma_semaphore, #tpu.memory_space<semaphore_mem>>)
    %dma_wait3A = arith.constant 0 : i32
    %dma_wait3A_16 = arith.constant 0 : i32
    %dma_wait3A_17 = tpu.memref_slice %arg5[%dma_wait3A, %dma_wait3A_16] : memref<16x128xi32, #tpu.memory_space<vmem>> -> memref<1x128xi32, #tpu.memory_space<vmem>>
    %dma_wait3A_18 = tpu.memref_squeeze %dma_wait3A_17 : memref<1x128xi32, #tpu.memory_space<vmem>> -> memref<128xi32, #tpu.memory_space<vmem>>
    %dma_wait3A_19 = arith.constant 0 : i32
    %dma_wait3A_20 = arith.constant 0 : i32
    %dma_wait3A_21 = tpu.memref_slice %arg2[%dma_wait3A_19, %dma_wait3A_20] : memref<16384x144xf32, #tpu.memory_space<hbm>> -> memref<16384x144xf32, #tpu.memory_space<hbm>>
    tpu.wait_indirect_dma semaphore(%arg8 : memref<!tpu.dma_semaphore, #tpu.memory_space<semaphore_mem>>) src(%dma_wait3A_21 : memref<16384x144xf32, #tpu.memory_space<hbm>>) dst(%arg6 : memref<128x144xf32, #tpu.memory_space<vmem>>)
    %mul3A_22 = arith.constant 2048 : i32
    %mul3A_23 = arith.muli %add3A, %mul3A_22 : i32
    %add3A_24 = arith.constant 0 : i32
    %add3A_25 = arith.addi %mul3A_23, %add3A_24 : i32
    "tpu.region"() ({
      %run_scoped3A = tpu.sem_alloc : memref<!tpu.dma_semaphore, #tpu.memory_space<semaphore_mem>>
      %dma_start3A_289 = arith.constant 0 : i32
      %dma_start3A_290 = tpu.memref_slice %arg4[%add3A_25, %dma_start3A_289] : memref<65536x144xf32, #tpu.memory_space<hbm>> -> memref<128x144xf32, #tpu.memory_space<hbm>>
      %dma_start3A_291 = arith.constant 0 : i32
      %dma_start3A_292 = tpu.memref_slice %arg4[%add3A_25, %dma_start3A_291] : memref<65536x144xf32, #tpu.memory_space<hbm>> -> memref<128x144xf32, #tpu.memory_space<hbm>>
      tpu.enqueue_dma source(%arg6 : memref<128x144xf32, #tpu.memory_space<vmem>>) target(%dma_start3A_292 : memref<128x144xf32, #tpu.memory_space<hbm>>) target_semaphore(%run_scoped3A : memref<!tpu.dma_semaphore, #tpu.memory_space<semaphore_mem>>)
      %dma_wait3A_293 = arith.constant 0 : i32
      %dma_wait3A_294 = tpu.memref_slice %arg4[%add3A_25, %dma_wait3A_293] : memref<65536x144xf32, #tpu.memory_space<hbm>> -> memref<128x144xf32, #tpu.memory_space<hbm>>
      %dma_wait3A_295 = arith.constant 0 : i32
      %dma_wait3A_296 = tpu.memref_slice %arg4[%add3A_25, %dma_wait3A_295] : memref<65536x144xf32, #tpu.memory_space<hbm>> -> memref<128x144xf32, #tpu.memory_space<hbm>>
      tpu.wait_dma2 semaphore(%run_scoped3A : memref<!tpu.dma_semaphore, #tpu.memory_space<semaphore_mem>>) src(%arg6 : memref<128x144xf32, #tpu.memory_space<vmem>>) dst(%dma_wait3A_296 : memref<128x144xf32, #tpu.memory_space<hbm>>)
      tpu.yield
    }) : () -> ()
    %dma_start3A_26 = arith.constant 2 : i32
    %dma_start3A_27 = arith.constant 0 : i32
    %dma_start3A_28 = tpu.memref_slice %arg5[%dma_start3A_26, %dma_start3A_27] : memref<16x128xi32, #tpu.memory_space<vmem>> -> memref<1x128xi32, #tpu.memory_space<vmem>>
    %dma_start3A_29 = tpu.memref_squeeze %dma_start3A_28 : memref<1x128xi32, #tpu.memory_space<vmem>> -> memref<128xi32, #tpu.memory_space<vmem>>
    %dma_start3A_30 = arith.constant 0 : i32
    %dma_start3A_31 = arith.constant 0 : i32
    %dma_start3A_32 = tpu.memref_slice %arg2[%dma_start3A_30, %dma_start3A_31] : memref<16384x144xf32, #tpu.memory_space<hbm>> -> memref<16384x144xf32, #tpu.memory_space<hbm>>
    tpu.enqueue_indirect_dma source(%dma_start3A_32 : memref<16384x144xf32, #tpu.memory_space<hbm>>) target(%arg6 : memref<128x144xf32, #tpu.memory_space<vmem>>) offsets(%dma_start3A_29 : memref<128xi32, #tpu.memory_space<vmem>>) semaphore(%arg8 : memref<!tpu.dma_semaphore, #tpu.memory_space<semaphore_mem>>)
    %dma_wait3A_33 = arith.constant 1 : i32
    %dma_wait3A_34 = arith.constant 0 : i32
    %dma_wait3A_35 = tpu.memref_slice %arg5[%dma_wait3A_33, %dma_wait3A_34] : memref<16x128xi32, #tpu.memory_space<vmem>> -> memref<1x128xi32, #tpu.memory_space<vmem>>
    %dma_wait3A_36 = tpu.memref_squeeze %dma_wait3A_35 : memref<1x128xi32, #tpu.memory_space<vmem>> -> memref<128xi32, #tpu.memory_space<vmem>>
    %dma_wait3A_37 = arith.constant 0 : i32
    %dma_wait3A_38 = arith.constant 0 : i32
    %dma_wait3A_39 = tpu.memref_slice %arg2[%dma_wait3A_37, %dma_wait3A_38] : memref<16384x144xf32, #tpu.memory_space<hbm>> -> memref<16384x144xf32, #tpu.memory_space<hbm>>
    tpu.wait_indirect_dma semaphore(%arg9 : memref<!tpu.dma_semaphore, #tpu.memory_space<semaphore_mem>>) src(%dma_wait3A_39 : memref<16384x144xf32, #tpu.memory_space<hbm>>) dst(%arg7 : memref<128x144xf32, #tpu.memory_space<vmem>>)
    %mul3A_40 = arith.constant 2048 : i32
    %mul3A_41 = arith.muli %add3A, %mul3A_40 : i32
    %add3A_42 = arith.constant 128 : i32
    %add3A_43 = arith.addi %mul3A_41, %add3A_42 : i32
    "tpu.region"() ({
      %run_scoped3A = tpu.sem_alloc : memref<!tpu.dma_semaphore, #tpu.memory_space<semaphore_mem>>
      %dma_start3A_289 = arith.constant 0 : i32
      %dma_start3A_290 = tpu.memref_slice %arg4[%add3A_43, %dma_start3A_289] : memref<65536x144xf32, #tpu.memory_space<hbm>> -> memref<128x144xf32, #tpu.memory_space<hbm>>
      %dma_start3A_291 = arith.constant 0 : i32
      %dma_start3A_292 = tpu.memref_slice %arg4[%add3A_43, %dma_start3A_291] : memref<65536x144xf32, #tpu.memory_space<hbm>> -> memref<128x144xf32, #tpu.memory_space<hbm>>
      tpu.enqueue_dma source(%arg7 : memref<128x144xf32, #tpu.memory_space<vmem>>) target(%dma_start3A_292 : memref<128x144xf32, #tpu.memory_space<hbm>>) target_semaphore(%run_scoped3A : memref<!tpu.dma_semaphore, #tpu.memory_space<semaphore_mem>>)
      %dma_wait3A_293 = arith.constant 0 : i32
      %dma_wait3A_294 = tpu.memref_slice %arg4[%add3A_43, %dma_wait3A_293] : memref<65536x144xf32, #tpu.memory_space<hbm>> -> memref<128x144xf32, #tpu.memory_space<hbm>>
      %dma_wait3A_295 = arith.constant 0 : i32
      %dma_wait3A_296 = tpu.memref_slice %arg4[%add3A_43, %dma_wait3A_295] : memref<65536x144xf32, #tpu.memory_space<hbm>> -> memref<128x144xf32, #tpu.memory_space<hbm>>
      tpu.wait_dma2 semaphore(%run_scoped3A : memref<!tpu.dma_semaphore, #tpu.memory_space<semaphore_mem>>) src(%arg7 : memref<128x144xf32, #tpu.memory_space<vmem>>) dst(%dma_wait3A_296 : memref<128x144xf32, #tpu.memory_space<hbm>>)
      tpu.yield
    }) : () -> ()
    %dma_start3A_44 = arith.constant 3 : i32
    %dma_start3A_45 = arith.constant 0 : i32
    %dma_start3A_46 = tpu.memref_slice %arg5[%dma_start3A_44, %dma_start3A_45] : memref<16x128xi32, #tpu.memory_space<vmem>> -> memref<1x128xi32, #tpu.memory_space<vmem>>
    %dma_start3A_47 = tpu.memref_squeeze %dma_start3A_46 : memref<1x128xi32, #tpu.memory_space<vmem>> -> memref<128xi32, #tpu.memory_space<vmem>>
    %dma_start3A_48 = arith.constant 0 : i32
    %dma_start3A_49 = arith.constant 0 : i32
    %dma_start3A_50 = tpu.memref_slice %arg2[%dma_start3A_48, %dma_start3A_49] : memref<16384x144xf32, #tpu.memory_space<hbm>> -> memref<16384x144xf32, #tpu.memory_space<hbm>>
    tpu.enqueue_indirect_dma source(%dma_start3A_50 : memref<16384x144xf32, #tpu.memory_space<hbm>>) target(%arg7 : memref<128x144xf32, #tpu.memory_space<vmem>>) offsets(%dma_start3A_47 : memref<128xi32, #tpu.memory_space<vmem>>) semaphore(%arg9 : memref<!tpu.dma_semaphore, #tpu.memory_space<semaphore_mem>>)
    %dma_wait3A_51 = arith.constant 2 : i32
    %dma_wait3A_52 = arith.constant 0 : i32
    %dma_wait3A_53 = tpu.memref_slice %arg5[%dma_wait3A_51, %dma_wait3A_52] : memref<16x128xi32, #tpu.memory_space<vmem>> -> memref<1x128xi32, #tpu.memory_space<vmem>>
    %dma_wait3A_54 = tpu.memref_squeeze %dma_wait3A_53 : memref<1x128xi32, #tpu.memory_space<vmem>> -> memref<128xi32, #tpu.memory_space<vmem>>
    %dma_wait3A_55 = arith.constant 0 : i32
    %dma_wait3A_56 = arith.constant 0 : i32
    %dma_wait3A_57 = tpu.memref_slice %arg2[%dma_wait3A_55, %dma_wait3A_56] : memref<16384x144xf32, #tpu.memory_space<hbm>> -> memref<16384x144xf32, #tpu.memory_space<hbm>>
    tpu.wait_indirect_dma semaphore(%arg8 : memref<!tpu.dma_semaphore, #tpu.memory_space<semaphore_mem>>) src(%dma_wait3A_57 : memref<16384x144xf32, #tpu.memory_space<hbm>>) dst(%arg6 : memref<128x144xf32, #tpu.memory_space<vmem>>)
    %mul3A_58 = arith.constant 2048 : i32
    %mul3A_59 = arith.muli %add3A, %mul3A_58 : i32
    %add3A_60 = arith.constant 256 : i32
    %add3A_61 = arith.addi %mul3A_59, %add3A_60 : i32
    "tpu.region"() ({
      %run_scoped3A = tpu.sem_alloc : memref<!tpu.dma_semaphore, #tpu.memory_space<semaphore_mem>>
      %dma_start3A_289 = arith.constant 0 : i32
      %dma_start3A_290 = tpu.memref_slice %arg4[%add3A_61, %dma_start3A_289] : memref<65536x144xf32, #tpu.memory_space<hbm>> -> memref<128x144xf32, #tpu.memory_space<hbm>>
      %dma_start3A_291 = arith.constant 0 : i32
      %dma_start3A_292 = tpu.memref_slice %arg4[%add3A_61, %dma_start3A_291] : memref<65536x144xf32, #tpu.memory_space<hbm>> -> memref<128x144xf32, #tpu.memory_space<hbm>>
      tpu.enqueue_dma source(%arg6 : memref<128x144xf32, #tpu.memory_space<vmem>>) target(%dma_start3A_292 : memref<128x144xf32, #tpu.memory_space<hbm>>) target_semaphore(%run_scoped3A : memref<!tpu.dma_semaphore, #tpu.memory_space<semaphore_mem>>)
      %dma_wait3A_293 = arith.constant 0 : i32
      %dma_wait3A_294 = tpu.memref_slice %arg4[%add3A_61, %dma_wait3A_293] : memref<65536x144xf32, #tpu.memory_space<hbm>> -> memref<128x144xf32, #tpu.memory_space<hbm>>
      %dma_wait3A_295 = arith.constant 0 : i32
      %dma_wait3A_296 = tpu.memref_slice %arg4[%add3A_61, %dma_wait3A_295] : memref<65536x144xf32, #tpu.memory_space<hbm>> -> memref<128x144xf32, #tpu.memory_space<hbm>>
      tpu.wait_dma2 semaphore(%run_scoped3A : memref<!tpu.dma_semaphore, #tpu.memory_space<semaphore_mem>>) src(%arg6 : memref<128x144xf32, #tpu.memory_space<vmem>>) dst(%dma_wait3A_296 : memref<128x144xf32, #tpu.memory_space<hbm>>)
      tpu.yield
    }) : () -> ()
    %dma_start3A_62 = arith.constant 4 : i32
    %dma_start3A_63 = arith.constant 0 : i32
    %dma_start3A_64 = tpu.memref_slice %arg5[%dma_start3A_62, %dma_start3A_63] : memref<16x128xi32, #tpu.memory_space<vmem>> -> memref<1x128xi32, #tpu.memory_space<vmem>>
    %dma_start3A_65 = tpu.memref_squeeze %dma_start3A_64 : memref<1x128xi32, #tpu.memory_space<vmem>> -> memref<128xi32, #tpu.memory_space<vmem>>
    %dma_start3A_66 = arith.constant 0 : i32
    %dma_start3A_67 = arith.constant 0 : i32
    %dma_start3A_68 = tpu.memref_slice %arg2[%dma_start3A_66, %dma_start3A_67] : memref<16384x144xf32, #tpu.memory_space<hbm>> -> memref<16384x144xf32, #tpu.memory_space<hbm>>
    tpu.enqueue_indirect_dma source(%dma_start3A_68 : memref<16384x144xf32, #tpu.memory_space<hbm>>) target(%arg6 : memref<128x144xf32, #tpu.memory_space<vmem>>) offsets(%dma_start3A_65 : memref<128xi32, #tpu.memory_space<vmem>>) semaphore(%arg8 : memref<!tpu.dma_semaphore, #tpu.memory_space<semaphore_mem>>)
    %dma_wait3A_69 = arith.constant 3 : i32
    %dma_wait3A_70 = arith.constant 0 : i32
    %dma_wait3A_71 = tpu.memref_slice %arg5[%dma_wait3A_69, %dma_wait3A_70] : memref<16x128xi32, #tpu.memory_space<vmem>> -> memref<1x128xi32, #tpu.memory_space<vmem>>
    %dma_wait3A_72 = tpu.memref_squeeze %dma_wait3A_71 : memref<1x128xi32, #tpu.memory_space<vmem>> -> memref<128xi32, #tpu.memory_space<vmem>>
    %dma_wait3A_73 = arith.constant 0 : i32
    %dma_wait3A_74 = arith.constant 0 : i32
    %dma_wait3A_75 = tpu.memref_slice %arg2[%dma_wait3A_73, %dma_wait3A_74] : memref<16384x144xf32, #tpu.memory_space<hbm>> -> memref<16384x144xf32, #tpu.memory_space<hbm>>
    tpu.wait_indirect_dma semaphore(%arg9 : memref<!tpu.dma_semaphore, #tpu.memory_space<semaphore_mem>>) src(%dma_wait3A_75 : memref<16384x144xf32, #tpu.memory_space<hbm>>) dst(%arg7 : memref<128x144xf32, #tpu.memory_space<vmem>>)
    %mul3A_76 = arith.constant 2048 : i32
    %mul3A_77 = arith.muli %add3A, %mul3A_76 : i32
    %add3A_78 = arith.constant 384 : i32
    %add3A_79 = arith.addi %mul3A_77, %add3A_78 : i32
    "tpu.region"() ({
      %run_scoped3A = tpu.sem_alloc : memref<!tpu.dma_semaphore, #tpu.memory_space<semaphore_mem>>
      %dma_start3A_289 = arith.constant 0 : i32
      %dma_start3A_290 = tpu.memref_slice %arg4[%add3A_79, %dma_start3A_289] : memref<65536x144xf32, #tpu.memory_space<hbm>> -> memref<128x144xf32, #tpu.memory_space<hbm>>
      %dma_start3A_291 = arith.constant 0 : i32
      %dma_start3A_292 = tpu.memref_slice %arg4[%add3A_79, %dma_start3A_291] : memref<65536x144xf32, #tpu.memory_space<hbm>> -> memref<128x144xf32, #tpu.memory_space<hbm>>
      tpu.enqueue_dma source(%arg7 : memref<128x144xf32, #tpu.memory_space<vmem>>) target(%dma_start3A_292 : memref<128x144xf32, #tpu.memory_space<hbm>>) target_semaphore(%run_scoped3A : memref<!tpu.dma_semaphore, #tpu.memory_space<semaphore_mem>>)
      %dma_wait3A_293 = arith.constant 0 : i32
      %dma_wait3A_294 = tpu.memref_slice %arg4[%add3A_79, %dma_wait3A_293] : memref<65536x144xf32, #tpu.memory_space<hbm>> -> memref<128x144xf32, #tpu.memory_space<hbm>>
      %dma_wait3A_295 = arith.constant 0 : i32
      %dma_wait3A_296 = tpu.memref_slice %arg4[%add3A_79, %dma_wait3A_295] : memref<65536x144xf32, #tpu.memory_space<hbm>> -> memref<128x144xf32, #tpu.memory_space<hbm>>
      tpu.wait_dma2 semaphore(%run_scoped3A : memref<!tpu.dma_semaphore, #tpu.memory_space<semaphore_mem>>) src(%arg7 : memref<128x144xf32, #tpu.memory_space<vmem>>) dst(%dma_wait3A_296 : memref<128x144xf32, #tpu.memory_space<hbm>>)
      tpu.yield
    }) : () -> ()
    %dma_start3A_80 = arith.constant 5 : i32
    %dma_start3A_81 = arith.constant 0 : i32
    %dma_start3A_82 = tpu.memref_slice %arg5[%dma_start3A_80, %dma_start3A_81] : memref<16x128xi32, #tpu.memory_space<vmem>> -> memref<1x128xi32, #tpu.memory_space<vmem>>
    %dma_start3A_83 = tpu.memref_squeeze %dma_start3A_82 : memref<1x128xi32, #tpu.memory_space<vmem>> -> memref<128xi32, #tpu.memory_space<vmem>>
    %dma_start3A_84 = arith.constant 0 : i32
    %dma_start3A_85 = arith.constant 0 : i32
    %dma_start3A_86 = tpu.memref_slice %arg2[%dma_start3A_84, %dma_start3A_85] : memref<16384x144xf32, #tpu.memory_space<hbm>> -> memref<16384x144xf32, #tpu.memory_space<hbm>>
    tpu.enqueue_indirect_dma source(%dma_start3A_86 : memref<16384x144xf32, #tpu.memory_space<hbm>>) target(%arg7 : memref<128x144xf32, #tpu.memory_space<vmem>>) offsets(%dma_start3A_83 : memref<128xi32, #tpu.memory_space<vmem>>) semaphore(%arg9 : memref<!tpu.dma_semaphore, #tpu.memory_space<semaphore_mem>>)
    %dma_wait3A_87 = arith.constant 4 : i32
    %dma_wait3A_88 = arith.constant 0 : i32
    %dma_wait3A_89 = tpu.memref_slice %arg5[%dma_wait3A_87, %dma_wait3A_88] : memref<16x128xi32, #tpu.memory_space<vmem>> -> memref<1x128xi32, #tpu.memory_space<vmem>>
    %dma_wait3A_90 = tpu.memref_squeeze %dma_wait3A_89 : memref<1x128xi32, #tpu.memory_space<vmem>> -> memref<128xi32, #tpu.memory_space<vmem>>
    %dma_wait3A_91 = arith.constant 0 : i32
    %dma_wait3A_92 = arith.constant 0 : i32
    %dma_wait3A_93 = tpu.memref_slice %arg2[%dma_wait3A_91, %dma_wait3A_92] : memref<16384x144xf32, #tpu.memory_space<hbm>> -> memref<16384x144xf32, #tpu.memory_space<hbm>>
    tpu.wait_indirect_dma semaphore(%arg8 : memref<!tpu.dma_semaphore, #tpu.memory_space<semaphore_mem>>) src(%dma_wait3A_93 : memref<16384x144xf32, #tpu.memory_space<hbm>>) dst(%arg6 : memref<128x144xf32, #tpu.memory_space<vmem>>)
    %mul3A_94 = arith.constant 2048 : i32
    %mul3A_95 = arith.muli %add3A, %mul3A_94 : i32
    %add3A_96 = arith.constant 512 : i32
    %add3A_97 = arith.addi %mul3A_95, %add3A_96 : i32
    "tpu.region"() ({
      %run_scoped3A = tpu.sem_alloc : memref<!tpu.dma_semaphore, #tpu.memory_space<semaphore_mem>>
      %dma_start3A_289 = arith.constant 0 : i32
      %dma_start3A_290 = tpu.memref_slice %arg4[%add3A_97, %dma_start3A_289] : memref<65536x144xf32, #tpu.memory_space<hbm>> -> memref<128x144xf32, #tpu.memory_space<hbm>>
      %dma_start3A_291 = arith.constant 0 : i32
      %dma_start3A_292 = tpu.memref_slice %arg4[%add3A_97, %dma_start3A_291] : memref<65536x144xf32, #tpu.memory_space<hbm>> -> memref<128x144xf32, #tpu.memory_space<hbm>>
      tpu.enqueue_dma source(%arg6 : memref<128x144xf32, #tpu.memory_space<vmem>>) target(%dma_start3A_292 : memref<128x144xf32, #tpu.memory_space<hbm>>) target_semaphore(%run_scoped3A : memref<!tpu.dma_semaphore, #tpu.memory_space<semaphore_mem>>)
      %dma_wait3A_293 = arith.constant 0 : i32
      %dma_wait3A_294 = tpu.memref_slice %arg4[%add3A_97, %dma_wait3A_293] : memref<65536x144xf32, #tpu.memory_space<hbm>> -> memref<128x144xf32, #tpu.memory_space<hbm>>
      %dma_wait3A_295 = arith.constant 0 : i32
      %dma_wait3A_296 = tpu.memref_slice %arg4[%add3A_97, %dma_wait3A_295] : memref<65536x144xf32, #tpu.memory_space<hbm>> -> memref<128x144xf32, #tpu.memory_space<hbm>>
      tpu.wait_dma2 semaphore(%run_scoped3A : memref<!tpu.dma_semaphore, #tpu.memory_space<semaphore_mem>>) src(%arg6 : memref<128x144xf32, #tpu.memory_space<vmem>>) dst(%dma_wait3A_296 : memref<128x144xf32, #tpu.memory_space<hbm>>)
      tpu.yield
    }) : () -> ()
    %dma_start3A_98 = arith.constant 6 : i32
    %dma_start3A_99 = arith.constant 0 : i32
    %dma_start3A_100 = tpu.memref_slice %arg5[%dma_start3A_98, %dma_start3A_99] : memref<16x128xi32, #tpu.memory_space<vmem>> -> memref<1x128xi32, #tpu.memory_space<vmem>>
    %dma_start3A_101 = tpu.memref_squeeze %dma_start3A_100 : memref<1x128xi32, #tpu.memory_space<vmem>> -> memref<128xi32, #tpu.memory_space<vmem>>
    %dma_start3A_102 = arith.constant 0 : i32
    %dma_start3A_103 = arith.constant 0 : i32
    %dma_start3A_104 = tpu.memref_slice %arg2[%dma_start3A_102, %dma_start3A_103] : memref<16384x144xf32, #tpu.memory_space<hbm>> -> memref<16384x144xf32, #tpu.memory_space<hbm>>
    tpu.enqueue_indirect_dma source(%dma_start3A_104 : memref<16384x144xf32, #tpu.memory_space<hbm>>) target(%arg6 : memref<128x144xf32, #tpu.memory_space<vmem>>) offsets(%dma_start3A_101 : memref<128xi32, #tpu.memory_space<vmem>>) semaphore(%arg8 : memref<!tpu.dma_semaphore, #tpu.memory_space<semaphore_mem>>)
    %dma_wait3A_105 = arith.constant 5 : i32
    %dma_wait3A_106 = arith.constant 0 : i32
    %dma_wait3A_107 = tpu.memref_slice %arg5[%dma_wait3A_105, %dma_wait3A_106] : memref<16x128xi32, #tpu.memory_space<vmem>> -> memref<1x128xi32, #tpu.memory_space<vmem>>
    %dma_wait3A_108 = tpu.memref_squeeze %dma_wait3A_107 : memref<1x128xi32, #tpu.memory_space<vmem>> -> memref<128xi32, #tpu.memory_space<vmem>>
    %dma_wait3A_109 = arith.constant 0 : i32
    %dma_wait3A_110 = arith.constant 0 : i32
    %dma_wait3A_111 = tpu.memref_slice %arg2[%dma_wait3A_109, %dma_wait3A_110] : memref<16384x144xf32, #tpu.memory_space<hbm>> -> memref<16384x144xf32, #tpu.memory_space<hbm>>
    tpu.wait_indirect_dma semaphore(%arg9 : memref<!tpu.dma_semaphore, #tpu.memory_space<semaphore_mem>>) src(%dma_wait3A_111 : memref<16384x144xf32, #tpu.memory_space<hbm>>) dst(%arg7 : memref<128x144xf32, #tpu.memory_space<vmem>>)
    %mul3A_112 = arith.constant 2048 : i32
    %mul3A_113 = arith.muli %add3A, %mul3A_112 : i32
    %add3A_114 = arith.constant 640 : i32
    %add3A_115 = arith.addi %mul3A_113, %add3A_114 : i32
    "tpu.region"() ({
      %run_scoped3A = tpu.sem_alloc : memref<!tpu.dma_semaphore, #tpu.memory_space<semaphore_mem>>
      %dma_start3A_289 = arith.constant 0 : i32
      %dma_start3A_290 = tpu.memref_slice %arg4[%add3A_115, %dma_start3A_289] : memref<65536x144xf32, #tpu.memory_space<hbm>> -> memref<128x144xf32, #tpu.memory_space<hbm>>
      %dma_start3A_291 = arith.constant 0 : i32
      %dma_start3A_292 = tpu.memref_slice %arg4[%add3A_115, %dma_start3A_291] : memref<65536x144xf32, #tpu.memory_space<hbm>> -> memref<128x144xf32, #tpu.memory_space<hbm>>
      tpu.enqueue_dma source(%arg7 : memref<128x144xf32, #tpu.memory_space<vmem>>) target(%dma_start3A_292 : memref<128x144xf32, #tpu.memory_space<hbm>>) target_semaphore(%run_scoped3A : memref<!tpu.dma_semaphore, #tpu.memory_space<semaphore_mem>>)
      %dma_wait3A_293 = arith.constant 0 : i32
      %dma_wait3A_294 = tpu.memref_slice %arg4[%add3A_115, %dma_wait3A_293] : memref<65536x144xf32, #tpu.memory_space<hbm>> -> memref<128x144xf32, #tpu.memory_space<hbm>>
      %dma_wait3A_295 = arith.constant 0 : i32
      %dma_wait3A_296 = tpu.memref_slice %arg4[%add3A_115, %dma_wait3A_295] : memref<65536x144xf32, #tpu.memory_space<hbm>> -> memref<128x144xf32, #tpu.memory_space<hbm>>
      tpu.wait_dma2 semaphore(%run_scoped3A : memref<!tpu.dma_semaphore, #tpu.memory_space<semaphore_mem>>) src(%arg7 : memref<128x144xf32, #tpu.memory_space<vmem>>) dst(%dma_wait3A_296 : memref<128x144xf32, #tpu.memory_space<hbm>>)
      tpu.yield
    }) : () -> ()
    %dma_start3A_116 = arith.constant 7 : i32
    %dma_start3A_117 = arith.constant 0 : i32
    %dma_start3A_118 = tpu.memref_slice %arg5[%dma_start3A_116, %dma_start3A_117] : memref<16x128xi32, #tpu.memory_space<vmem>> -> memref<1x128xi32, #tpu.memory_space<vmem>>
    %dma_start3A_119 = tpu.memref_squeeze %dma_start3A_118 : memref<1x128xi32, #tpu.memory_space<vmem>> -> memref<128xi32, #tpu.memory_space<vmem>>
    %dma_start3A_120 = arith.constant 0 : i32
    %dma_start3A_121 = arith.constant 0 : i32
    %dma_start3A_122 = tpu.memref_slice %arg2[%dma_start3A_120, %dma_start3A_121] : memref<16384x144xf32, #tpu.memory_space<hbm>> -> memref<16384x144xf32, #tpu.memory_space<hbm>>
    tpu.enqueue_indirect_dma source(%dma_start3A_122 : memref<16384x144xf32, #tpu.memory_space<hbm>>) target(%arg7 : memref<128x144xf32, #tpu.memory_space<vmem>>) offsets(%dma_start3A_119 : memref<128xi32, #tpu.memory_space<vmem>>) semaphore(%arg9 : memref<!tpu.dma_semaphore, #tpu.memory_space<semaphore_mem>>)
    %dma_wait3A_123 = arith.constant 6 : i32
    %dma_wait3A_124 = arith.constant 0 : i32
    %dma_wait3A_125 = tpu.memref_slice %arg5[%dma_wait3A_123, %dma_wait3A_124] : memref<16x128xi32, #tpu.memory_space<vmem>> -> memref<1x128xi32, #tpu.memory_space<vmem>>
    %dma_wait3A_126 = tpu.memref_squeeze %dma_wait3A_125 : memref<1x128xi32, #tpu.memory_space<vmem>> -> memref<128xi32, #tpu.memory_space<vmem>>
    %dma_wait3A_127 = arith.constant 0 : i32
    %dma_wait3A_128 = arith.constant 0 : i32
    %dma_wait3A_129 = tpu.memref_slice %arg2[%dma_wait3A_127, %dma_wait3A_128] : memref<16384x144xf32, #tpu.memory_space<hbm>> -> memref<16384x144xf32, #tpu.memory_space<hbm>>
    tpu.wait_indirect_dma semaphore(%arg8 : memref<!tpu.dma_semaphore, #tpu.memory_space<semaphore_mem>>) src(%dma_wait3A_129 : memref<16384x144xf32, #tpu.memory_space<hbm>>) dst(%arg6 : memref<128x144xf32, #tpu.memory_space<vmem>>)
    %mul3A_130 = arith.constant 2048 : i32
    %mul3A_131 = arith.muli %add3A, %mul3A_130 : i32
    %add3A_132 = arith.constant 768 : i32
    %add3A_133 = arith.addi %mul3A_131, %add3A_132 : i32
    "tpu.region"() ({
      %run_scoped3A = tpu.sem_alloc : memref<!tpu.dma_semaphore, #tpu.memory_space<semaphore_mem>>
      %dma_start3A_289 = arith.constant 0 : i32
      %dma_start3A_290 = tpu.memref_slice %arg4[%add3A_133, %dma_start3A_289] : memref<65536x144xf32, #tpu.memory_space<hbm>> -> memref<128x144xf32, #tpu.memory_space<hbm>>
      %dma_start3A_291 = arith.constant 0 : i32
      %dma_start3A_292 = tpu.memref_slice %arg4[%add3A_133, %dma_start3A_291] : memref<65536x144xf32, #tpu.memory_space<hbm>> -> memref<128x144xf32, #tpu.memory_space<hbm>>
      tpu.enqueue_dma source(%arg6 : memref<128x144xf32, #tpu.memory_space<vmem>>) target(%dma_start3A_292 : memref<128x144xf32, #tpu.memory_space<hbm>>) target_semaphore(%run_scoped3A : memref<!tpu.dma_semaphore, #tpu.memory_space<semaphore_mem>>)
      %dma_wait3A_293 = arith.constant 0 : i32
      %dma_wait3A_294 = tpu.memref_slice %arg4[%add3A_133, %dma_wait3A_293] : memref<65536x144xf32, #tpu.memory_space<hbm>> -> memref<128x144xf32, #tpu.memory_space<hbm>>
      %dma_wait3A_295 = arith.constant 0 : i32
      %dma_wait3A_296 = tpu.memref_slice %arg4[%add3A_133, %dma_wait3A_295] : memref<65536x144xf32, #tpu.memory_space<hbm>> -> memref<128x144xf32, #tpu.memory_space<hbm>>
      tpu.wait_dma2 semaphore(%run_scoped3A : memref<!tpu.dma_semaphore, #tpu.memory_space<semaphore_mem>>) src(%arg6 : memref<128x144xf32, #tpu.memory_space<vmem>>) dst(%dma_wait3A_296 : memref<128x144xf32, #tpu.memory_space<hbm>>)
      tpu.yield
    }) : () -> ()
    %dma_start3A_134 = arith.constant 8 : i32
    %dma_start3A_135 = arith.constant 0 : i32
    %dma_start3A_136 = tpu.memref_slice %arg5[%dma_start3A_134, %dma_start3A_135] : memref<16x128xi32, #tpu.memory_space<vmem>> -> memref<1x128xi32, #tpu.memory_space<vmem>>
    %dma_start3A_137 = tpu.memref_squeeze %dma_start3A_136 : memref<1x128xi32, #tpu.memory_space<vmem>> -> memref<128xi32, #tpu.memory_space<vmem>>
    %dma_start3A_138 = arith.constant 0 : i32
    %dma_start3A_139 = arith.constant 0 : i32
    %dma_start3A_140 = tpu.memref_slice %arg2[%dma_start3A_138, %dma_start3A_139] : memref<16384x144xf32, #tpu.memory_space<hbm>> -> memref<16384x144xf32, #tpu.memory_space<hbm>>
    tpu.enqueue_indirect_dma source(%dma_start3A_140 : memref<16384x144xf32, #tpu.memory_space<hbm>>) target(%arg6 : memref<128x144xf32, #tpu.memory_space<vmem>>) offsets(%dma_start3A_137 : memref<128xi32, #tpu.memory_space<vmem>>) semaphore(%arg8 : memref<!tpu.dma_semaphore, #tpu.memory_space<semaphore_mem>>)
    %dma_wait3A_141 = arith.constant 7 : i32
    %dma_wait3A_142 = arith.constant 0 : i32
    %dma_wait3A_143 = tpu.memref_slice %arg5[%dma_wait3A_141, %dma_wait3A_142] : memref<16x128xi32, #tpu.memory_space<vmem>> -> memref<1x128xi32, #tpu.memory_space<vmem>>
    %dma_wait3A_144 = tpu.memref_squeeze %dma_wait3A_143 : memref<1x128xi32, #tpu.memory_space<vmem>> -> memref<128xi32, #tpu.memory_space<vmem>>
    %dma_wait3A_145 = arith.constant 0 : i32
    %dma_wait3A_146 = arith.constant 0 : i32
    %dma_wait3A_147 = tpu.memref_slice %arg2[%dma_wait3A_145, %dma_wait3A_146] : memref<16384x144xf32, #tpu.memory_space<hbm>> -> memref<16384x144xf32, #tpu.memory_space<hbm>>
    tpu.wait_indirect_dma semaphore(%arg9 : memref<!tpu.dma_semaphore, #tpu.memory_space<semaphore_mem>>) src(%dma_wait3A_147 : memref<16384x144xf32, #tpu.memory_space<hbm>>) dst(%arg7 : memref<128x144xf32, #tpu.memory_space<vmem>>)
    %mul3A_148 = arith.constant 2048 : i32
    %mul3A_149 = arith.muli %add3A, %mul3A_148 : i32
    %add3A_150 = arith.constant 896 : i32
    %add3A_151 = arith.addi %mul3A_149, %add3A_150 : i32
    "tpu.region"() ({
      %run_scoped3A = tpu.sem_alloc : memref<!tpu.dma_semaphore, #tpu.memory_space<semaphore_mem>>
      %dma_start3A_289 = arith.constant 0 : i32
      %dma_start3A_290 = tpu.memref_slice %arg4[%add3A_151, %dma_start3A_289] : memref<65536x144xf32, #tpu.memory_space<hbm>> -> memref<128x144xf32, #tpu.memory_space<hbm>>
      %dma_start3A_291 = arith.constant 0 : i32
      %dma_start3A_292 = tpu.memref_slice %arg4[%add3A_151, %dma_start3A_291] : memref<65536x144xf32, #tpu.memory_space<hbm>> -> memref<128x144xf32, #tpu.memory_space<hbm>>
      tpu.enqueue_dma source(%arg7 : memref<128x144xf32, #tpu.memory_space<vmem>>) target(%dma_start3A_292 : memref<128x144xf32, #tpu.memory_space<hbm>>) target_semaphore(%run_scoped3A : memref<!tpu.dma_semaphore, #tpu.memory_space<semaphore_mem>>)
      %dma_wait3A_293 = arith.constant 0 : i32
      %dma_wait3A_294 = tpu.memref_slice %arg4[%add3A_151, %dma_wait3A_293] : memref<65536x144xf32, #tpu.memory_space<hbm>> -> memref<128x144xf32, #tpu.memory_space<hbm>>
      %dma_wait3A_295 = arith.constant 0 : i32
      %dma_wait3A_296 = tpu.memref_slice %arg4[%add3A_151, %dma_wait3A_295] : memref<65536x144xf32, #tpu.memory_space<hbm>> -> memref<128x144xf32, #tpu.memory_space<hbm>>
      tpu.wait_dma2 semaphore(%run_scoped3A : memref<!tpu.dma_semaphore, #tpu.memory_space<semaphore_mem>>) src(%arg7 : memref<128x144xf32, #tpu.memory_space<vmem>>) dst(%dma_wait3A_296 : memref<128x144xf32, #tpu.memory_space<hbm>>)
      tpu.yield
    }) : () -> ()
    %dma_start3A_152 = arith.constant 9 : i32
    %dma_start3A_153 = arith.constant 0 : i32
    %dma_start3A_154 = tpu.memref_slice %arg5[%dma_start3A_152, %dma_start3A_153] : memref<16x128xi32, #tpu.memory_space<vmem>> -> memref<1x128xi32, #tpu.memory_space<vmem>>
    %dma_start3A_155 = tpu.memref_squeeze %dma_start3A_154 : memref<1x128xi32, #tpu.memory_space<vmem>> -> memref<128xi32, #tpu.memory_space<vmem>>
    %dma_start3A_156 = arith.constant 0 : i32
    %dma_start3A_157 = arith.constant 0 : i32
    %dma_start3A_158 = tpu.memref_slice %arg2[%dma_start3A_156, %dma_start3A_157] : memref<16384x144xf32, #tpu.memory_space<hbm>> -> memref<16384x144xf32, #tpu.memory_space<hbm>>
    tpu.enqueue_indirect_dma source(%dma_start3A_158 : memref<16384x144xf32, #tpu.memory_space<hbm>>) target(%arg7 : memref<128x144xf32, #tpu.memory_space<vmem>>) offsets(%dma_start3A_155 : memref<128xi32, #tpu.memory_space<vmem>>) semaphore(%arg9 : memref<!tpu.dma_semaphore, #tpu.memory_space<semaphore_mem>>)
    %dma_wait3A_159 = arith.constant 8 : i32
    %dma_wait3A_160 = arith.constant 0 : i32
    %dma_wait3A_161 = tpu.memref_slice %arg5[%dma_wait3A_159, %dma_wait3A_160] : memref<16x128xi32, #tpu.memory_space<vmem>> -> memref<1x128xi32, #tpu.memory_space<vmem>>
    %dma_wait3A_162 = tpu.memref_squeeze %dma_wait3A_161 : memref<1x128xi32, #tpu.memory_space<vmem>> -> memref<128xi32, #tpu.memory_space<vmem>>
    %dma_wait3A_163 = arith.constant 0 : i32
    %dma_wait3A_164 = arith.constant 0 : i32
    %dma_wait3A_165 = tpu.memref_slice %arg2[%dma_wait3A_163, %dma_wait3A_164] : memref<16384x144xf32, #tpu.memory_space<hbm>> -> memref<16384x144xf32, #tpu.memory_space<hbm>>
    tpu.wait_indirect_dma semaphore(%arg8 : memref<!tpu.dma_semaphore, #tpu.memory_space<semaphore_mem>>) src(%dma_wait3A_165 : memref<16384x144xf32, #tpu.memory_space<hbm>>) dst(%arg6 : memref<128x144xf32, #tpu.memory_space<vmem>>)
    %mul3A_166 = arith.constant 2048 : i32
    %mul3A_167 = arith.muli %add3A, %mul3A_166 : i32
    %add3A_168 = arith.constant 1024 : i32
    %add3A_169 = arith.addi %mul3A_167, %add3A_168 : i32
    "tpu.region"() ({
      %run_scoped3A = tpu.sem_alloc : memref<!tpu.dma_semaphore, #tpu.memory_space<semaphore_mem>>
      %dma_start3A_289 = arith.constant 0 : i32
      %dma_start3A_290 = tpu.memref_slice %arg4[%add3A_169, %dma_start3A_289] : memref<65536x144xf32, #tpu.memory_space<hbm>> -> memref<128x144xf32, #tpu.memory_space<hbm>>
      %dma_start3A_291 = arith.constant 0 : i32
      %dma_start3A_292 = tpu.memref_slice %arg4[%add3A_169, %dma_start3A_291] : memref<65536x144xf32, #tpu.memory_space<hbm>> -> memref<128x144xf32, #tpu.memory_space<hbm>>
      tpu.enqueue_dma source(%arg6 : memref<128x144xf32, #tpu.memory_space<vmem>>) target(%dma_start3A_292 : memref<128x144xf32, #tpu.memory_space<hbm>>) target_semaphore(%run_scoped3A : memref<!tpu.dma_semaphore, #tpu.memory_space<semaphore_mem>>)
      %dma_wait3A_293 = arith.constant 0 : i32
      %dma_wait3A_294 = tpu.memref_slice %arg4[%add3A_169, %dma_wait3A_293] : memref<65536x144xf32, #tpu.memory_space<hbm>> -> memref<128x144xf32, #tpu.memory_space<hbm>>
      %dma_wait3A_295 = arith.constant 0 : i32
      %dma_wait3A_296 = tpu.memref_slice %arg4[%add3A_169, %dma_wait3A_295] : memref<65536x144xf32, #tpu.memory_space<hbm>> -> memref<128x144xf32, #tpu.memory_space<hbm>>
      tpu.wait_dma2 semaphore(%run_scoped3A : memref<!tpu.dma_semaphore, #tpu.memory_space<semaphore_mem>>) src(%arg6 : memref<128x144xf32, #tpu.memory_space<vmem>>) dst(%dma_wait3A_296 : memref<128x144xf32, #tpu.memory_space<hbm>>)
      tpu.yield
    }) : () -> ()
    %dma_start3A_170 = arith.constant 10 : i32
    %dma_start3A_171 = arith.constant 0 : i32
    %dma_start3A_172 = tpu.memref_slice %arg5[%dma_start3A_170, %dma_start3A_171] : memref<16x128xi32, #tpu.memory_space<vmem>> -> memref<1x128xi32, #tpu.memory_space<vmem>>
    %dma_start3A_173 = tpu.memref_squeeze %dma_start3A_172 : memref<1x128xi32, #tpu.memory_space<vmem>> -> memref<128xi32, #tpu.memory_space<vmem>>
    %dma_start3A_174 = arith.constant 0 : i32
    %dma_start3A_175 = arith.constant 0 : i32
    %dma_start3A_176 = tpu.memref_slice %arg2[%dma_start3A_174, %dma_start3A_175] : memref<16384x144xf32, #tpu.memory_space<hbm>> -> memref<16384x144xf32, #tpu.memory_space<hbm>>
    tpu.enqueue_indirect_dma source(%dma_start3A_176 : memref<16384x144xf32, #tpu.memory_space<hbm>>) target(%arg6 : memref<128x144xf32, #tpu.memory_space<vmem>>) offsets(%dma_start3A_173 : memref<128xi32, #tpu.memory_space<vmem>>) semaphore(%arg8 : memref<!tpu.dma_semaphore, #tpu.memory_space<semaphore_mem>>)
    %dma_wait3A_177 = arith.constant 9 : i32
    %dma_wait3A_178 = arith.constant 0 : i32
    %dma_wait3A_179 = tpu.memref_slice %arg5[%dma_wait3A_177, %dma_wait3A_178] : memref<16x128xi32, #tpu.memory_space<vmem>> -> memref<1x128xi32, #tpu.memory_space<vmem>>
    %dma_wait3A_180 = tpu.memref_squeeze %dma_wait3A_179 : memref<1x128xi32, #tpu.memory_space<vmem>> -> memref<128xi32, #tpu.memory_space<vmem>>
    %dma_wait3A_181 = arith.constant 0 : i32
    %dma_wait3A_182 = arith.constant 0 : i32
    %dma_wait3A_183 = tpu.memref_slice %arg2[%dma_wait3A_181, %dma_wait3A_182] : memref<16384x144xf32, #tpu.memory_space<hbm>> -> memref<16384x144xf32, #tpu.memory_space<hbm>>
    tpu.wait_indirect_dma semaphore(%arg9 : memref<!tpu.dma_semaphore, #tpu.memory_space<semaphore_mem>>) src(%dma_wait3A_183 : memref<16384x144xf32, #tpu.memory_space<hbm>>) dst(%arg7 : memref<128x144xf32, #tpu.memory_space<vmem>>)
    %mul3A_184 = arith.constant 2048 : i32
    %mul3A_185 = arith.muli %add3A, %mul3A_184 : i32
    %add3A_186 = arith.constant 1152 : i32
    %add3A_187 = arith.addi %mul3A_185, %add3A_186 : i32
    "tpu.region"() ({
      %run_scoped3A = tpu.sem_alloc : memref<!tpu.dma_semaphore, #tpu.memory_space<semaphore_mem>>
      %dma_start3A_289 = arith.constant 0 : i32
      %dma_start3A_290 = tpu.memref_slice %arg4[%add3A_187, %dma_start3A_289] : memref<65536x144xf32, #tpu.memory_space<hbm>> -> memref<128x144xf32, #tpu.memory_space<hbm>>
      %dma_start3A_291 = arith.constant 0 : i32
      %dma_start3A_292 = tpu.memref_slice %arg4[%add3A_187, %dma_start3A_291] : memref<65536x144xf32, #tpu.memory_space<hbm>> -> memref<128x144xf32, #tpu.memory_space<hbm>>
      tpu.enqueue_dma source(%arg7 : memref<128x144xf32, #tpu.memory_space<vmem>>) target(%dma_start3A_292 : memref<128x144xf32, #tpu.memory_space<hbm>>) target_semaphore(%run_scoped3A : memref<!tpu.dma_semaphore, #tpu.memory_space<semaphore_mem>>)
      %dma_wait3A_293 = arith.constant 0 : i32
      %dma_wait3A_294 = tpu.memref_slice %arg4[%add3A_187, %dma_wait3A_293] : memref<65536x144xf32, #tpu.memory_space<hbm>> -> memref<128x144xf32, #tpu.memory_space<hbm>>
      %dma_wait3A_295 = arith.constant 0 : i32
      %dma_wait3A_296 = tpu.memref_slice %arg4[%add3A_187, %dma_wait3A_295] : memref<65536x144xf32, #tpu.memory_space<hbm>> -> memref<128x144xf32, #tpu.memory_space<hbm>>
      tpu.wait_dma2 semaphore(%run_scoped3A : memref<!tpu.dma_semaphore, #tpu.memory_space<semaphore_mem>>) src(%arg7 : memref<128x144xf32, #tpu.memory_space<vmem>>) dst(%dma_wait3A_296 : memref<128x144xf32, #tpu.memory_space<hbm>>)
      tpu.yield
    }) : () -> ()
    %dma_start3A_188 = arith.constant 11 : i32
    %dma_start3A_189 = arith.constant 0 : i32
    %dma_start3A_190 = tpu.memref_slice %arg5[%dma_start3A_188, %dma_start3A_189] : memref<16x128xi32, #tpu.memory_space<vmem>> -> memref<1x128xi32, #tpu.memory_space<vmem>>
    %dma_start3A_191 = tpu.memref_squeeze %dma_start3A_190 : memref<1x128xi32, #tpu.memory_space<vmem>> -> memref<128xi32, #tpu.memory_space<vmem>>
    %dma_start3A_192 = arith.constant 0 : i32
    %dma_start3A_193 = arith.constant 0 : i32
    %dma_start3A_194 = tpu.memref_slice %arg2[%dma_start3A_192, %dma_start3A_193] : memref<16384x144xf32, #tpu.memory_space<hbm>> -> memref<16384x144xf32, #tpu.memory_space<hbm>>
    tpu.enqueue_indirect_dma source(%dma_start3A_194 : memref<16384x144xf32, #tpu.memory_space<hbm>>) target(%arg7 : memref<128x144xf32, #tpu.memory_space<vmem>>) offsets(%dma_start3A_191 : memref<128xi32, #tpu.memory_space<vmem>>) semaphore(%arg9 : memref<!tpu.dma_semaphore, #tpu.memory_space<semaphore_mem>>)
    %dma_wait3A_195 = arith.constant 10 : i32
    %dma_wait3A_196 = arith.constant 0 : i32
    %dma_wait3A_197 = tpu.memref_slice %arg5[%dma_wait3A_195, %dma_wait3A_196] : memref<16x128xi32, #tpu.memory_space<vmem>> -> memref<1x128xi32, #tpu.memory_space<vmem>>
    %dma_wait3A_198 = tpu.memref_squeeze %dma_wait3A_197 : memref<1x128xi32, #tpu.memory_space<vmem>> -> memref<128xi32, #tpu.memory_space<vmem>>
    %dma_wait3A_199 = arith.constant 0 : i32
    %dma_wait3A_200 = arith.constant 0 : i32
    %dma_wait3A_201 = tpu.memref_slice %arg2[%dma_wait3A_199, %dma_wait3A_200] : memref<16384x144xf32, #tpu.memory_space<hbm>> -> memref<16384x144xf32, #tpu.memory_space<hbm>>
    tpu.wait_indirect_dma semaphore(%arg8 : memref<!tpu.dma_semaphore, #tpu.memory_space<semaphore_mem>>) src(%dma_wait3A_201 : memref<16384x144xf32, #tpu.memory_space<hbm>>) dst(%arg6 : memref<128x144xf32, #tpu.memory_space<vmem>>)
    %mul3A_202 = arith.constant 2048 : i32
    %mul3A_203 = arith.muli %add3A, %mul3A_202 : i32
    %add3A_204 = arith.constant 1280 : i32
    %add3A_205 = arith.addi %mul3A_203, %add3A_204 : i32
    "tpu.region"() ({
      %run_scoped3A = tpu.sem_alloc : memref<!tpu.dma_semaphore, #tpu.memory_space<semaphore_mem>>
      %dma_start3A_289 = arith.constant 0 : i32
      %dma_start3A_290 = tpu.memref_slice %arg4[%add3A_205, %dma_start3A_289] : memref<65536x144xf32, #tpu.memory_space<hbm>> -> memref<128x144xf32, #tpu.memory_space<hbm>>
      %dma_start3A_291 = arith.constant 0 : i32
      %dma_start3A_292 = tpu.memref_slice %arg4[%add3A_205, %dma_start3A_291] : memref<65536x144xf32, #tpu.memory_space<hbm>> -> memref<128x144xf32, #tpu.memory_space<hbm>>
      tpu.enqueue_dma source(%arg6 : memref<128x144xf32, #tpu.memory_space<vmem>>) target(%dma_start3A_292 : memref<128x144xf32, #tpu.memory_space<hbm>>) target_semaphore(%run_scoped3A : memref<!tpu.dma_semaphore, #tpu.memory_space<semaphore_mem>>)
      %dma_wait3A_293 = arith.constant 0 : i32
      %dma_wait3A_294 = tpu.memref_slice %arg4[%add3A_205, %dma_wait3A_293] : memref<65536x144xf32, #tpu.memory_space<hbm>> -> memref<128x144xf32, #tpu.memory_space<hbm>>
      %dma_wait3A_295 = arith.constant 0 : i32
      %dma_wait3A_296 = tpu.memref_slice %arg4[%add3A_205, %dma_wait3A_295] : memref<65536x144xf32, #tpu.memory_space<hbm>> -> memref<128x144xf32, #tpu.memory_space<hbm>>
      tpu.wait_dma2 semaphore(%run_scoped3A : memref<!tpu.dma_semaphore, #tpu.memory_space<semaphore_mem>>) src(%arg6 : memref<128x144xf32, #tpu.memory_space<vmem>>) dst(%dma_wait3A_296 : memref<128x144xf32, #tpu.memory_space<hbm>>)
      tpu.yield
    }) : () -> ()
    %dma_start3A_206 = arith.constant 12 : i32
    %dma_start3A_207 = arith.constant 0 : i32
    %dma_start3A_208 = tpu.memref_slice %arg5[%dma_start3A_206, %dma_start3A_207] : memref<16x128xi32, #tpu.memory_space<vmem>> -> memref<1x128xi32, #tpu.memory_space<vmem>>
    %dma_start3A_209 = tpu.memref_squeeze %dma_start3A_208 : memref<1x128xi32, #tpu.memory_space<vmem>> -> memref<128xi32, #tpu.memory_space<vmem>>
    %dma_start3A_210 = arith.constant 0 : i32
    %dma_start3A_211 = arith.constant 0 : i32
    %dma_start3A_212 = tpu.memref_slice %arg2[%dma_start3A_210, %dma_start3A_211] : memref<16384x144xf32, #tpu.memory_space<hbm>> -> memref<16384x144xf32, #tpu.memory_space<hbm>>
    tpu.enqueue_indirect_dma source(%dma_start3A_212 : memref<16384x144xf32, #tpu.memory_space<hbm>>) target(%arg6 : memref<128x144xf32, #tpu.memory_space<vmem>>) offsets(%dma_start3A_209 : memref<128xi32, #tpu.memory_space<vmem>>) semaphore(%arg8 : memref<!tpu.dma_semaphore, #tpu.memory_space<semaphore_mem>>)
    %dma_wait3A_213 = arith.constant 11 : i32
    %dma_wait3A_214 = arith.constant 0 : i32
    %dma_wait3A_215 = tpu.memref_slice %arg5[%dma_wait3A_213, %dma_wait3A_214] : memref<16x128xi32, #tpu.memory_space<vmem>> -> memref<1x128xi32, #tpu.memory_space<vmem>>
    %dma_wait3A_216 = tpu.memref_squeeze %dma_wait3A_215 : memref<1x128xi32, #tpu.memory_space<vmem>> -> memref<128xi32, #tpu.memory_space<vmem>>
    %dma_wait3A_217 = arith.constant 0 : i32
    %dma_wait3A_218 = arith.constant 0 : i32
    %dma_wait3A_219 = tpu.memref_slice %arg2[%dma_wait3A_217, %dma_wait3A_218] : memref<16384x144xf32, #tpu.memory_space<hbm>> -> memref<16384x144xf32, #tpu.memory_space<hbm>>
    tpu.wait_indirect_dma semaphore(%arg9 : memref<!tpu.dma_semaphore, #tpu.memory_space<semaphore_mem>>) src(%dma_wait3A_219 : memref<16384x144xf32, #tpu.memory_space<hbm>>) dst(%arg7 : memref<128x144xf32, #tpu.memory_space<vmem>>)
    %mul3A_220 = arith.constant 2048 : i32
    %mul3A_221 = arith.muli %add3A, %mul3A_220 : i32
    %add3A_222 = arith.constant 1408 : i32
    %add3A_223 = arith.addi %mul3A_221, %add3A_222 : i32
    "tpu.region"() ({
      %run_scoped3A = tpu.sem_alloc : memref<!tpu.dma_semaphore, #tpu.memory_space<semaphore_mem>>
      %dma_start3A_289 = arith.constant 0 : i32
      %dma_start3A_290 = tpu.memref_slice %arg4[%add3A_223, %dma_start3A_289] : memref<65536x144xf32, #tpu.memory_space<hbm>> -> memref<128x144xf32, #tpu.memory_space<hbm>>
      %dma_start3A_291 = arith.constant 0 : i32
      %dma_start3A_292 = tpu.memref_slice %arg4[%add3A_223, %dma_start3A_291] : memref<65536x144xf32, #tpu.memory_space<hbm>> -> memref<128x144xf32, #tpu.memory_space<hbm>>
      tpu.enqueue_dma source(%arg7 : memref<128x144xf32, #tpu.memory_space<vmem>>) target(%dma_start3A_292 : memref<128x144xf32, #tpu.memory_space<hbm>>) target_semaphore(%run_scoped3A : memref<!tpu.dma_semaphore, #tpu.memory_space<semaphore_mem>>)
      %dma_wait3A_293 = arith.constant 0 : i32
      %dma_wait3A_294 = tpu.memref_slice %arg4[%add3A_223, %dma_wait3A_293] : memref<65536x144xf32, #tpu.memory_space<hbm>> -> memref<128x144xf32, #tpu.memory_space<hbm>>
      %dma_wait3A_295 = arith.constant 0 : i32
      %dma_wait3A_296 = tpu.memref_slice %arg4[%add3A_223, %dma_wait3A_295] : memref<65536x144xf32, #tpu.memory_space<hbm>> -> memref<128x144xf32, #tpu.memory_space<hbm>>
      tpu.wait_dma2 semaphore(%run_scoped3A : memref<!tpu.dma_semaphore, #tpu.memory_space<semaphore_mem>>) src(%arg7 : memref<128x144xf32, #tpu.memory_space<vmem>>) dst(%dma_wait3A_296 : memref<128x144xf32, #tpu.memory_space<hbm>>)
      tpu.yield
    }) : () -> ()
    %dma_start3A_224 = arith.constant 13 : i32
    %dma_start3A_225 = arith.constant 0 : i32
    %dma_start3A_226 = tpu.memref_slice %arg5[%dma_start3A_224, %dma_start3A_225] : memref<16x128xi32, #tpu.memory_space<vmem>> -> memref<1x128xi32, #tpu.memory_space<vmem>>
    %dma_start3A_227 = tpu.memref_squeeze %dma_start3A_226 : memref<1x128xi32, #tpu.memory_space<vmem>> -> memref<128xi32, #tpu.memory_space<vmem>>
    %dma_start3A_228 = arith.constant 0 : i32
    %dma_start3A_229 = arith.constant 0 : i32
    %dma_start3A_230 = tpu.memref_slice %arg2[%dma_start3A_228, %dma_start3A_229] : memref<16384x144xf32, #tpu.memory_space<hbm>> -> memref<16384x144xf32, #tpu.memory_space<hbm>>
    tpu.enqueue_indirect_dma source(%dma_start3A_230 : memref<16384x144xf32, #tpu.memory_space<hbm>>) target(%arg7 : memref<128x144xf32, #tpu.memory_space<vmem>>) offsets(%dma_start3A_227 : memref<128xi32, #tpu.memory_space<vmem>>) semaphore(%arg9 : memref<!tpu.dma_semaphore, #tpu.memory_space<semaphore_mem>>)
    %dma_wait3A_231 = arith.constant 12 : i32
    %dma_wait3A_232 = arith.constant 0 : i32
    %dma_wait3A_233 = tpu.memref_slice %arg5[%dma_wait3A_231, %dma_wait3A_232] : memref<16x128xi32, #tpu.memory_space<vmem>> -> memref<1x128xi32, #tpu.memory_space<vmem>>
    %dma_wait3A_234 = tpu.memref_squeeze %dma_wait3A_233 : memref<1x128xi32, #tpu.memory_space<vmem>> -> memref<128xi32, #tpu.memory_space<vmem>>
    %dma_wait3A_235 = arith.constant 0 : i32
    %dma_wait3A_236 = arith.constant 0 : i32
    %dma_wait3A_237 = tpu.memref_slice %arg2[%dma_wait3A_235, %dma_wait3A_236] : memref<16384x144xf32, #tpu.memory_space<hbm>> -> memref<16384x144xf32, #tpu.memory_space<hbm>>
    tpu.wait_indirect_dma semaphore(%arg8 : memref<!tpu.dma_semaphore, #tpu.memory_space<semaphore_mem>>) src(%dma_wait3A_237 : memref<16384x144xf32, #tpu.memory_space<hbm>>) dst(%arg6 : memref<128x144xf32, #tpu.memory_space<vmem>>)
    %mul3A_238 = arith.constant 2048 : i32
    %mul3A_239 = arith.muli %add3A, %mul3A_238 : i32
    %add3A_240 = arith.constant 1536 : i32
    %add3A_241 = arith.addi %mul3A_239, %add3A_240 : i32
    "tpu.region"() ({
      %run_scoped3A = tpu.sem_alloc : memref<!tpu.dma_semaphore, #tpu.memory_space<semaphore_mem>>
      %dma_start3A_289 = arith.constant 0 : i32
      %dma_start3A_290 = tpu.memref_slice %arg4[%add3A_241, %dma_start3A_289] : memref<65536x144xf32, #tpu.memory_space<hbm>> -> memref<128x144xf32, #tpu.memory_space<hbm>>
      %dma_start3A_291 = arith.constant 0 : i32
      %dma_start3A_292 = tpu.memref_slice %arg4[%add3A_241, %dma_start3A_291] : memref<65536x144xf32, #tpu.memory_space<hbm>> -> memref<128x144xf32, #tpu.memory_space<hbm>>
      tpu.enqueue_dma source(%arg6 : memref<128x144xf32, #tpu.memory_space<vmem>>) target(%dma_start3A_292 : memref<128x144xf32, #tpu.memory_space<hbm>>) target_semaphore(%run_scoped3A : memref<!tpu.dma_semaphore, #tpu.memory_space<semaphore_mem>>)
      %dma_wait3A_293 = arith.constant 0 : i32
      %dma_wait3A_294 = tpu.memref_slice %arg4[%add3A_241, %dma_wait3A_293] : memref<65536x144xf32, #tpu.memory_space<hbm>> -> memref<128x144xf32, #tpu.memory_space<hbm>>
      %dma_wait3A_295 = arith.constant 0 : i32
      %dma_wait3A_296 = tpu.memref_slice %arg4[%add3A_241, %dma_wait3A_295] : memref<65536x144xf32, #tpu.memory_space<hbm>> -> memref<128x144xf32, #tpu.memory_space<hbm>>
      tpu.wait_dma2 semaphore(%run_scoped3A : memref<!tpu.dma_semaphore, #tpu.memory_space<semaphore_mem>>) src(%arg6 : memref<128x144xf32, #tpu.memory_space<vmem>>) dst(%dma_wait3A_296 : memref<128x144xf32, #tpu.memory_space<hbm>>)
      tpu.yield
    }) : () -> ()
    %dma_start3A_242 = arith.constant 14 : i32
    %dma_start3A_243 = arith.constant 0 : i32
    %dma_start3A_244 = tpu.memref_slice %arg5[%dma_start3A_242, %dma_start3A_243] : memref<16x128xi32, #tpu.memory_space<vmem>> -> memref<1x128xi32, #tpu.memory_space<vmem>>
    %dma_start3A_245 = tpu.memref_squeeze %dma_start3A_244 : memref<1x128xi32, #tpu.memory_space<vmem>> -> memref<128xi32, #tpu.memory_space<vmem>>
    %dma_start3A_246 = arith.constant 0 : i32
    %dma_start3A_247 = arith.constant 0 : i32
    %dma_start3A_248 = tpu.memref_slice %arg2[%dma_start3A_246, %dma_start3A_247] : memref<16384x144xf32, #tpu.memory_space<hbm>> -> memref<16384x144xf32, #tpu.memory_space<hbm>>
    tpu.enqueue_indirect_dma source(%dma_start3A_248 : memref<16384x144xf32, #tpu.memory_space<hbm>>) target(%arg6 : memref<128x144xf32, #tpu.memory_space<vmem>>) offsets(%dma_start3A_245 : memref<128xi32, #tpu.memory_space<vmem>>) semaphore(%arg8 : memref<!tpu.dma_semaphore, #tpu.memory_space<semaphore_mem>>)
    %dma_wait3A_249 = arith.constant 13 : i32
    %dma_wait3A_250 = arith.constant 0 : i32
    %dma_wait3A_251 = tpu.memref_slice %arg5[%dma_wait3A_249, %dma_wait3A_250] : memref<16x128xi32, #tpu.memory_space<vmem>> -> memref<1x128xi32, #tpu.memory_space<vmem>>
    %dma_wait3A_252 = tpu.memref_squeeze %dma_wait3A_251 : memref<1x128xi32, #tpu.memory_space<vmem>> -> memref<128xi32, #tpu.memory_space<vmem>>
    %dma_wait3A_253 = arith.constant 0 : i32
    %dma_wait3A_254 = arith.constant 0 : i32
    %dma_wait3A_255 = tpu.memref_slice %arg2[%dma_wait3A_253, %dma_wait3A_254] : memref<16384x144xf32, #tpu.memory_space<hbm>> -> memref<16384x144xf32, #tpu.memory_space<hbm>>
    tpu.wait_indirect_dma semaphore(%arg9 : memref<!tpu.dma_semaphore, #tpu.memory_space<semaphore_mem>>) src(%dma_wait3A_255 : memref<16384x144xf32, #tpu.memory_space<hbm>>) dst(%arg7 : memref<128x144xf32, #tpu.memory_space<vmem>>)
    %mul3A_256 = arith.constant 2048 : i32
    %mul3A_257 = arith.muli %add3A, %mul3A_256 : i32
    %add3A_258 = arith.constant 1664 : i32
    %add3A_259 = arith.addi %mul3A_257, %add3A_258 : i32
    "tpu.region"() ({
      %run_scoped3A = tpu.sem_alloc : memref<!tpu.dma_semaphore, #tpu.memory_space<semaphore_mem>>
      %dma_start3A_289 = arith.constant 0 : i32
      %dma_start3A_290 = tpu.memref_slice %arg4[%add3A_259, %dma_start3A_289] : memref<65536x144xf32, #tpu.memory_space<hbm>> -> memref<128x144xf32, #tpu.memory_space<hbm>>
      %dma_start3A_291 = arith.constant 0 : i32
      %dma_start3A_292 = tpu.memref_slice %arg4[%add3A_259, %dma_start3A_291] : memref<65536x144xf32, #tpu.memory_space<hbm>> -> memref<128x144xf32, #tpu.memory_space<hbm>>
      tpu.enqueue_dma source(%arg7 : memref<128x144xf32, #tpu.memory_space<vmem>>) target(%dma_start3A_292 : memref<128x144xf32, #tpu.memory_space<hbm>>) target_semaphore(%run_scoped3A : memref<!tpu.dma_semaphore, #tpu.memory_space<semaphore_mem>>)
      %dma_wait3A_293 = arith.constant 0 : i32
      %dma_wait3A_294 = tpu.memref_slice %arg4[%add3A_259, %dma_wait3A_293] : memref<65536x144xf32, #tpu.memory_space<hbm>> -> memref<128x144xf32, #tpu.memory_space<hbm>>
      %dma_wait3A_295 = arith.constant 0 : i32
      %dma_wait3A_296 = tpu.memref_slice %arg4[%add3A_259, %dma_wait3A_295] : memref<65536x144xf32, #tpu.memory_space<hbm>> -> memref<128x144xf32, #tpu.memory_space<hbm>>
      tpu.wait_dma2 semaphore(%run_scoped3A : memref<!tpu.dma_semaphore, #tpu.memory_space<semaphore_mem>>) src(%arg7 : memref<128x144xf32, #tpu.memory_space<vmem>>) dst(%dma_wait3A_296 : memref<128x144xf32, #tpu.memory_space<hbm>>)
      tpu.yield
    }) : () -> ()
    %dma_start3A_260 = arith.constant 15 : i32
    %dma_start3A_261 = arith.constant 0 : i32
    %dma_start3A_262 = tpu.memref_slice %arg5[%dma_start3A_260, %dma_start3A_261] : memref<16x128xi32, #tpu.memory_space<vmem>> -> memref<1x128xi32, #tpu.memory_space<vmem>>
    %dma_start3A_263 = tpu.memref_squeeze %dma_start3A_262 : memref<1x128xi32, #tpu.memory_space<vmem>> -> memref<128xi32, #tpu.memory_space<vmem>>
    %dma_start3A_264 = arith.constant 0 : i32
    %dma_start3A_265 = arith.constant 0 : i32
    %dma_start3A_266 = tpu.memref_slice %arg2[%dma_start3A_264, %dma_start3A_265] : memref<16384x144xf32, #tpu.memory_space<hbm>> -> memref<16384x144xf32, #tpu.memory_space<hbm>>
    tpu.enqueue_indirect_dma source(%dma_start3A_266 : memref<16384x144xf32, #tpu.memory_space<hbm>>) target(%arg7 : memref<128x144xf32, #tpu.memory_space<vmem>>) offsets(%dma_start3A_263 : memref<128xi32, #tpu.memory_space<vmem>>) semaphore(%arg9 : memref<!tpu.dma_semaphore, #tpu.memory_space<semaphore_mem>>)
    %dma_wait3A_267 = arith.constant 14 : i32
    %dma_wait3A_268 = arith.constant 0 : i32
    %dma_wait3A_269 = tpu.memref_slice %arg5[%dma_wait3A_267, %dma_wait3A_268] : memref<16x128xi32, #tpu.memory_space<vmem>> -> memref<1x128xi32, #tpu.memory_space<vmem>>
    %dma_wait3A_270 = tpu.memref_squeeze %dma_wait3A_269 : memref<1x128xi32, #tpu.memory_space<vmem>> -> memref<128xi32, #tpu.memory_space<vmem>>
    %dma_wait3A_271 = arith.constant 0 : i32
    %dma_wait3A_272 = arith.constant 0 : i32
    %dma_wait3A_273 = tpu.memref_slice %arg2[%dma_wait3A_271, %dma_wait3A_272] : memref<16384x144xf32, #tpu.memory_space<hbm>> -> memref<16384x144xf32, #tpu.memory_space<hbm>>
    tpu.wait_indirect_dma semaphore(%arg8 : memref<!tpu.dma_semaphore, #tpu.memory_space<semaphore_mem>>) src(%dma_wait3A_273 : memref<16384x144xf32, #tpu.memory_space<hbm>>) dst(%arg6 : memref<128x144xf32, #tpu.memory_space<vmem>>)
    %mul3A_274 = arith.constant 2048 : i32
    %mul3A_275 = arith.muli %add3A, %mul3A_274 : i32
    %add3A_276 = arith.constant 1792 : i32
    %add3A_277 = arith.addi %mul3A_275, %add3A_276 : i32
    "tpu.region"() ({
      %run_scoped3A = tpu.sem_alloc : memref<!tpu.dma_semaphore, #tpu.memory_space<semaphore_mem>>
      %dma_start3A_289 = arith.constant 0 : i32
      %dma_start3A_290 = tpu.memref_slice %arg4[%add3A_277, %dma_start3A_289] : memref<65536x144xf32, #tpu.memory_space<hbm>> -> memref<128x144xf32, #tpu.memory_space<hbm>>
      %dma_start3A_291 = arith.constant 0 : i32
      %dma_start3A_292 = tpu.memref_slice %arg4[%add3A_277, %dma_start3A_291] : memref<65536x144xf32, #tpu.memory_space<hbm>> -> memref<128x144xf32, #tpu.memory_space<hbm>>
      tpu.enqueue_dma source(%arg6 : memref<128x144xf32, #tpu.memory_space<vmem>>) target(%dma_start3A_292 : memref<128x144xf32, #tpu.memory_space<hbm>>) target_semaphore(%run_scoped3A : memref<!tpu.dma_semaphore, #tpu.memory_space<semaphore_mem>>)
      %dma_wait3A_293 = arith.constant 0 : i32
      %dma_wait3A_294 = tpu.memref_slice %arg4[%add3A_277, %dma_wait3A_293] : memref<65536x144xf32, #tpu.memory_space<hbm>> -> memref<128x144xf32, #tpu.memory_space<hbm>>
      %dma_wait3A_295 = arith.constant 0 : i32
      %dma_wait3A_296 = tpu.memref_slice %arg4[%add3A_277, %dma_wait3A_295] : memref<65536x144xf32, #tpu.memory_space<hbm>> -> memref<128x144xf32, #tpu.memory_space<hbm>>
      tpu.wait_dma2 semaphore(%run_scoped3A : memref<!tpu.dma_semaphore, #tpu.memory_space<semaphore_mem>>) src(%arg6 : memref<128x144xf32, #tpu.memory_space<vmem>>) dst(%dma_wait3A_296 : memref<128x144xf32, #tpu.memory_space<hbm>>)
      tpu.yield
    }) : () -> ()
    %dma_wait3A_278 = arith.constant 15 : i32
    %dma_wait3A_279 = arith.constant 0 : i32
    %dma_wait3A_280 = tpu.memref_slice %arg5[%dma_wait3A_278, %dma_wait3A_279] : memref<16x128xi32, #tpu.memory_space<vmem>> -> memref<1x128xi32, #tpu.memory_space<vmem>>
    %dma_wait3A_281 = tpu.memref_squeeze %dma_wait3A_280 : memref<1x128xi32, #tpu.memory_space<vmem>> -> memref<128xi32, #tpu.memory_space<vmem>>
    %dma_wait3A_282 = arith.constant 0 : i32
    %dma_wait3A_283 = arith.constant 0 : i32
    %dma_wait3A_284 = tpu.memref_slice %arg2[%dma_wait3A_282, %dma_wait3A_283] : memref<16384x144xf32, #tpu.memory_space<hbm>> -> memref<16384x144xf32, #tpu.memory_space<hbm>>
    tpu.wait_indirect_dma semaphore(%arg9 : memref<!tpu.dma_semaphore, #tpu.memory_space<semaphore_mem>>) src(%dma_wait3A_284 : memref<16384x144xf32, #tpu.memory_space<hbm>>) dst(%arg7 : memref<128x144xf32, #tpu.memory_space<vmem>>)
    %mul3A_285 = arith.constant 2048 : i32
    %mul3A_286 = arith.muli %add3A, %mul3A_285 : i32
    %add3A_287 = arith.constant 1920 : i32
    %add3A_288 = arith.addi %mul3A_286, %add3A_287 : i32
    "tpu.region"() ({
      %run_scoped3A = tpu.sem_alloc : memref<!tpu.dma_semaphore, #tpu.memory_space<semaphore_mem>>
      %dma_start3A_289 = arith.constant 0 : i32
      %dma_start3A_290 = tpu.memref_slice %arg4[%add3A_288, %dma_start3A_289] : memref<65536x144xf32, #tpu.memory_space<hbm>> -> memref<128x144xf32, #tpu.memory_space<hbm>>
      %dma_start3A_291 = arith.constant 0 : i32
      %dma_start3A_292 = tpu.memref_slice %arg4[%add3A_288, %dma_start3A_291] : memref<65536x144xf32, #tpu.memory_space<hbm>> -> memref<128x144xf32, #tpu.memory_space<hbm>>
      tpu.enqueue_dma source(%arg7 : memref<128x144xf32, #tpu.memory_space<vmem>>) target(%dma_start3A_292 : memref<128x144xf32, #tpu.memory_space<hbm>>) target_semaphore(%run_scoped3A : memref<!tpu.dma_semaphore, #tpu.memory_space<semaphore_mem>>)
      %dma_wait3A_293 = arith.constant 0 : i32
      %dma_wait3A_294 = tpu.memref_slice %arg4[%add3A_288, %dma_wait3A_293] : memref<65536x144xf32, #tpu.memory_space<hbm>> -> memref<128x144xf32, #tpu.memory_space<hbm>>
      %dma_wait3A_295 = arith.constant 0 : i32
      %dma_wait3A_296 = tpu.memref_slice %arg4[%add3A_288, %dma_wait3A_295] : memref<65536x144xf32, #tpu.memory_space<hbm>> -> memref<128x144xf32, #tpu.memory_space<hbm>>
      tpu.wait_dma2 semaphore(%run_scoped3A : memref<!tpu.dma_semaphore, #tpu.memory_space<semaphore_mem>>) src(%arg7 : memref<128x144xf32, #tpu.memory_space<vmem>>) dst(%dma_wait3A_296 : memref<128x144xf32, #tpu.memory_space<hbm>>)
      tpu.yield
    }) : () -> ()
    return
  }
}

module attributes {stable_mosaic.version = 14 : i64} {
  func.func @_knn_body(%arg0: i32, %arg1: i32, %arg2: memref<1x256x3xf32, #tpu.memory_space<vmem>>, %arg3: memref<1x3x4096xf32, #tpu.memory_space<vmem>>, %arg4: memref<1x256x16xi32, #tpu.memory_space<vmem>>) attributes {dimension_semantics = [#tpu.dimension_semantics<arbitrary>, #tpu.dimension_semantics<arbitrary>], iteration_bounds = array<i64: 4, 4>, scalar_prefetch = 0 : i64, scratch_operands = 0 : i64, tpu.core_type = #tpu.core_type<tc>, window_params = [{transform_indices = @transform_0, window_bounds = array<i64: 1, 256, 3>}, {transform_indices = @transform_1, window_bounds = array<i64: 1, 3, 4096>}, {transform_indices = @transform_2, window_bounds = array<i64: 1, 256, 16>}]} {
    %get3A = arith.constant 0 : index
    %get3A_0 = arith.constant 0 : index
    %get3A_1 = arith.constant 0 : index
    %get3A_2 = vector.load %arg2[%get3A, %get3A_0, %get3A_1] : memref<1x256x3xf32, #tpu.memory_space<vmem>>, vector<1x256x3xf32>
    %get3A_3 = vector.shape_cast %get3A_2 : vector<1x256x3xf32> to vector<256x3xf32>
    %get3A_4 = arith.constant 0 : index
    %get3A_5 = arith.constant 0 : index
    %get3A_6 = arith.constant 0 : index
    %get3A_7 = vector.load %arg3[%get3A_4, %get3A_5, %get3A_6] : memref<1x3x4096xf32, #tpu.memory_space<vmem>>, vector<1x3x4096xf32>
    %get3A_8 = vector.shape_cast %get3A_7 : vector<1x3x4096xf32> to vector<3x4096xf32>
    %slice3A = vector.extract_strided_slice %get3A_8 {offsets = [0, 0], sizes = [1, 4096], strides = [1, 1]} : vector<3x4096xf32> to vector<1x4096xf32>
    %slice3A_9 = vector.extract_strided_slice %get3A_8 {offsets = [1, 0], sizes = [1, 4096], strides = [1, 1]} : vector<3x4096xf32> to vector<1x4096xf32>
    %slice3A_10 = vector.extract_strided_slice %get3A_8 {offsets = [2, 0], sizes = [1, 4096], strides = [1, 1]} : vector<3x4096xf32> to vector<1x4096xf32>
    %slice3A_11 = vector.extract_strided_slice %get3A_3 {offsets = [0, 0], sizes = [256, 1], strides = [1, 1]} : vector<256x3xf32> to vector<256x1xf32>
    %sub3A = vector.broadcast %slice3A_11 : vector<256x1xf32> to vector<256x4096xf32>
    %sub3A_12 = vector.broadcast %slice3A : vector<1x4096xf32> to vector<256x4096xf32>
    %sub3A_13 = arith.subf %sub3A, %sub3A_12 : vector<256x4096xf32>
    %slice3A_14 = vector.extract_strided_slice %get3A_3 {offsets = [0, 1], sizes = [256, 1], strides = [1, 1]} : vector<256x3xf32> to vector<256x1xf32>
    %sub3A_15 = vector.broadcast %slice3A_14 : vector<256x1xf32> to vector<256x4096xf32>
    %sub3A_16 = vector.broadcast %slice3A_9 : vector<1x4096xf32> to vector<256x4096xf32>
    %sub3A_17 = arith.subf %sub3A_15, %sub3A_16 : vector<256x4096xf32>
    %slice3A_18 = vector.extract_strided_slice %get3A_3 {offsets = [0, 2], sizes = [256, 1], strides = [1, 1]} : vector<256x3xf32> to vector<256x1xf32>
    %sub3A_19 = vector.broadcast %slice3A_18 : vector<256x1xf32> to vector<256x4096xf32>
    %sub3A_20 = vector.broadcast %slice3A_10 : vector<1x4096xf32> to vector<256x4096xf32>
    %sub3A_21 = arith.subf %sub3A_19, %sub3A_20 : vector<256x4096xf32>
    %mul3A = arith.mulf %sub3A_13, %sub3A_13 : vector<256x4096xf32>
    %mul3A_22 = arith.mulf %sub3A_17, %sub3A_17 : vector<256x4096xf32>
    %add3A = arith.addf %mul3A, %mul3A_22 : vector<256x4096xf32>
    %mul3A_23 = arith.mulf %sub3A_21, %sub3A_21 : vector<256x4096xf32>
    %add3A_24 = arith.addf %add3A, %mul3A_23 : vector<256x4096xf32>
    %iota3A = tpu.iota {dimensions = array<i32: 1>} : vector<256x4096xi32>
    %mul3A_25 = arith.constant 4096 : i32
    %mul3A_26 = arith.muli %arg0, %mul3A_25 : i32
    %reduce_min3A = arith.constant dense<0x7F800000> : vector<256xf32>
    %reduce_min3A_27 = vector.multi_reduction <minimumf>, %add3A_24, %reduce_min3A [1] : vector<256x4096xf32> to vector<256xf32>
    %broadcast_in_dim3A = vector.shape_cast %reduce_min3A_27 : vector<256xf32> to vector<256x1xf32>
    %eq3A = vector.broadcast %broadcast_in_dim3A : vector<256x1xf32> to vector<256x4096xf32>
    %eq3A_28 = arith.cmpf oeq, %add3A_24, %eq3A : vector<256x4096xf32>
    %jit3A = arith.constant 4096 : i32
    %broadcast_in_dim3A_29 = vector.broadcast %jit3A : i32 to vector<256x4096xi32>
    %select_n3A = arith.select %eq3A_28, %iota3A, %broadcast_in_dim3A_29 : vector<256x4096xi1>, vector<256x4096xi32>
    %reduce_min3A_30 = arith.constant dense<2147483647> : vector<256xi32>
    %reduce_min3A_31 = vector.multi_reduction <minsi>, %select_n3A, %reduce_min3A_30 [1] : vector<256x4096xi32> to vector<256xi32>
    %broadcast_in_dim3A_32 = vector.shape_cast %reduce_min3A_31 : vector<256xi32> to vector<256x1xi32>
    %eq3A_33 = vector.broadcast %broadcast_in_dim3A_32 : vector<256x1xi32> to vector<256x4096xi32>
    %eq3A_34 = arith.cmpi eq, %iota3A, %eq3A_33 : vector<256x4096xi32>
    %jit3A_35 = arith.constant 0x7F800000 : f32
    %broadcast_in_dim3A_36 = vector.broadcast %jit3A_35 : f32 to vector<256x4096xf32>
    %select_n3A_37 = arith.select %eq3A_34, %broadcast_in_dim3A_36, %add3A_24 : vector<256x4096xi1>, vector<256x4096xf32>
    %reduce_min3A_38 = arith.constant dense<0x7F800000> : vector<256xf32>
    %reduce_min3A_39 = vector.multi_reduction <minimumf>, %select_n3A_37, %reduce_min3A_38 [1] : vector<256x4096xf32> to vector<256xf32>
    %broadcast_in_dim3A_40 = vector.shape_cast %reduce_min3A_39 : vector<256xf32> to vector<256x1xf32>
    %eq3A_41 = vector.broadcast %broadcast_in_dim3A_40 : vector<256x1xf32> to vector<256x4096xf32>
    %eq3A_42 = arith.cmpf oeq, %select_n3A_37, %eq3A_41 : vector<256x4096xf32>
    %jit3A_43 = arith.constant 4096 : i32
    %broadcast_in_dim3A_44 = vector.broadcast %jit3A_43 : i32 to vector<256x4096xi32>
    %select_n3A_45 = arith.select %eq3A_42, %iota3A, %broadcast_in_dim3A_44 : vector<256x4096xi1>, vector<256x4096xi32>
    %reduce_min3A_46 = arith.constant dense<2147483647> : vector<256xi32>
    %reduce_min3A_47 = vector.multi_reduction <minsi>, %select_n3A_45, %reduce_min3A_46 [1] : vector<256x4096xi32> to vector<256xi32>
    %broadcast_in_dim3A_48 = vector.shape_cast %reduce_min3A_47 : vector<256xi32> to vector<256x1xi32>
    %eq3A_49 = vector.broadcast %broadcast_in_dim3A_48 : vector<256x1xi32> to vector<256x4096xi32>
    %eq3A_50 = arith.cmpi eq, %iota3A, %eq3A_49 : vector<256x4096xi32>
    %jit3A_51 = arith.constant 0x7F800000 : f32
    %broadcast_in_dim3A_52 = vector.broadcast %jit3A_51 : f32 to vector<256x4096xf32>
    %select_n3A_53 = arith.select %eq3A_50, %broadcast_in_dim3A_52, %select_n3A_37 : vector<256x4096xi1>, vector<256x4096xf32>
    %reduce_min3A_54 = arith.constant dense<0x7F800000> : vector<256xf32>
    %reduce_min3A_55 = vector.multi_reduction <minimumf>, %select_n3A_53, %reduce_min3A_54 [1] : vector<256x4096xf32> to vector<256xf32>
    %broadcast_in_dim3A_56 = vector.shape_cast %reduce_min3A_55 : vector<256xf32> to vector<256x1xf32>
    %eq3A_57 = vector.broadcast %broadcast_in_dim3A_56 : vector<256x1xf32> to vector<256x4096xf32>
    %eq3A_58 = arith.cmpf oeq, %select_n3A_53, %eq3A_57 : vector<256x4096xf32>
    %jit3A_59 = arith.constant 4096 : i32
    %broadcast_in_dim3A_60 = vector.broadcast %jit3A_59 : i32 to vector<256x4096xi32>
    %select_n3A_61 = arith.select %eq3A_58, %iota3A, %broadcast_in_dim3A_60 : vector<256x4096xi1>, vector<256x4096xi32>
    %reduce_min3A_62 = arith.constant dense<2147483647> : vector<256xi32>
    %reduce_min3A_63 = vector.multi_reduction <minsi>, %select_n3A_61, %reduce_min3A_62 [1] : vector<256x4096xi32> to vector<256xi32>
    %broadcast_in_dim3A_64 = vector.shape_cast %reduce_min3A_63 : vector<256xi32> to vector<256x1xi32>
    %eq3A_65 = vector.broadcast %broadcast_in_dim3A_64 : vector<256x1xi32> to vector<256x4096xi32>
    %eq3A_66 = arith.cmpi eq, %iota3A, %eq3A_65 : vector<256x4096xi32>
    %jit3A_67 = arith.constant 0x7F800000 : f32
    %broadcast_in_dim3A_68 = vector.broadcast %jit3A_67 : f32 to vector<256x4096xf32>
    %select_n3A_69 = arith.select %eq3A_66, %broadcast_in_dim3A_68, %select_n3A_53 : vector<256x4096xi1>, vector<256x4096xf32>
    %reduce_min3A_70 = arith.constant dense<0x7F800000> : vector<256xf32>
    %reduce_min3A_71 = vector.multi_reduction <minimumf>, %select_n3A_69, %reduce_min3A_70 [1] : vector<256x4096xf32> to vector<256xf32>
    %broadcast_in_dim3A_72 = vector.shape_cast %reduce_min3A_71 : vector<256xf32> to vector<256x1xf32>
    %eq3A_73 = vector.broadcast %broadcast_in_dim3A_72 : vector<256x1xf32> to vector<256x4096xf32>
    %eq3A_74 = arith.cmpf oeq, %select_n3A_69, %eq3A_73 : vector<256x4096xf32>
    %jit3A_75 = arith.constant 4096 : i32
    %broadcast_in_dim3A_76 = vector.broadcast %jit3A_75 : i32 to vector<256x4096xi32>
    %select_n3A_77 = arith.select %eq3A_74, %iota3A, %broadcast_in_dim3A_76 : vector<256x4096xi1>, vector<256x4096xi32>
    %reduce_min3A_78 = arith.constant dense<2147483647> : vector<256xi32>
    %reduce_min3A_79 = vector.multi_reduction <minsi>, %select_n3A_77, %reduce_min3A_78 [1] : vector<256x4096xi32> to vector<256xi32>
    %broadcast_in_dim3A_80 = vector.shape_cast %reduce_min3A_79 : vector<256xi32> to vector<256x1xi32>
    %eq3A_81 = vector.broadcast %broadcast_in_dim3A_80 : vector<256x1xi32> to vector<256x4096xi32>
    %eq3A_82 = arith.cmpi eq, %iota3A, %eq3A_81 : vector<256x4096xi32>
    %jit3A_83 = arith.constant 0x7F800000 : f32
    %broadcast_in_dim3A_84 = vector.broadcast %jit3A_83 : f32 to vector<256x4096xf32>
    %select_n3A_85 = arith.select %eq3A_82, %broadcast_in_dim3A_84, %select_n3A_69 : vector<256x4096xi1>, vector<256x4096xf32>
    %reduce_min3A_86 = arith.constant dense<0x7F800000> : vector<256xf32>
    %reduce_min3A_87 = vector.multi_reduction <minimumf>, %select_n3A_85, %reduce_min3A_86 [1] : vector<256x4096xf32> to vector<256xf32>
    %broadcast_in_dim3A_88 = vector.shape_cast %reduce_min3A_87 : vector<256xf32> to vector<256x1xf32>
    %eq3A_89 = vector.broadcast %broadcast_in_dim3A_88 : vector<256x1xf32> to vector<256x4096xf32>
    %eq3A_90 = arith.cmpf oeq, %select_n3A_85, %eq3A_89 : vector<256x4096xf32>
    %jit3A_91 = arith.constant 4096 : i32
    %broadcast_in_dim3A_92 = vector.broadcast %jit3A_91 : i32 to vector<256x4096xi32>
    %select_n3A_93 = arith.select %eq3A_90, %iota3A, %broadcast_in_dim3A_92 : vector<256x4096xi1>, vector<256x4096xi32>
    %reduce_min3A_94 = arith.constant dense<2147483647> : vector<256xi32>
    %reduce_min3A_95 = vector.multi_reduction <minsi>, %select_n3A_93, %reduce_min3A_94 [1] : vector<256x4096xi32> to vector<256xi32>
    %broadcast_in_dim3A_96 = vector.shape_cast %reduce_min3A_95 : vector<256xi32> to vector<256x1xi32>
    %eq3A_97 = vector.broadcast %broadcast_in_dim3A_96 : vector<256x1xi32> to vector<256x4096xi32>
    %eq3A_98 = arith.cmpi eq, %iota3A, %eq3A_97 : vector<256x4096xi32>
    %jit3A_99 = arith.constant 0x7F800000 : f32
    %broadcast_in_dim3A_100 = vector.broadcast %jit3A_99 : f32 to vector<256x4096xf32>
    %select_n3A_101 = arith.select %eq3A_98, %broadcast_in_dim3A_100, %select_n3A_85 : vector<256x4096xi1>, vector<256x4096xf32>
    %reduce_min3A_102 = arith.constant dense<0x7F800000> : vector<256xf32>
    %reduce_min3A_103 = vector.multi_reduction <minimumf>, %select_n3A_101, %reduce_min3A_102 [1] : vector<256x4096xf32> to vector<256xf32>
    %broadcast_in_dim3A_104 = vector.shape_cast %reduce_min3A_103 : vector<256xf32> to vector<256x1xf32>
    %eq3A_105 = vector.broadcast %broadcast_in_dim3A_104 : vector<256x1xf32> to vector<256x4096xf32>
    %eq3A_106 = arith.cmpf oeq, %select_n3A_101, %eq3A_105 : vector<256x4096xf32>
    %jit3A_107 = arith.constant 4096 : i32
    %broadcast_in_dim3A_108 = vector.broadcast %jit3A_107 : i32 to vector<256x4096xi32>
    %select_n3A_109 = arith.select %eq3A_106, %iota3A, %broadcast_in_dim3A_108 : vector<256x4096xi1>, vector<256x4096xi32>
    %reduce_min3A_110 = arith.constant dense<2147483647> : vector<256xi32>
    %reduce_min3A_111 = vector.multi_reduction <minsi>, %select_n3A_109, %reduce_min3A_110 [1] : vector<256x4096xi32> to vector<256xi32>
    %broadcast_in_dim3A_112 = vector.shape_cast %reduce_min3A_111 : vector<256xi32> to vector<256x1xi32>
    %eq3A_113 = vector.broadcast %broadcast_in_dim3A_112 : vector<256x1xi32> to vector<256x4096xi32>
    %eq3A_114 = arith.cmpi eq, %iota3A, %eq3A_113 : vector<256x4096xi32>
    %jit3A_115 = arith.constant 0x7F800000 : f32
    %broadcast_in_dim3A_116 = vector.broadcast %jit3A_115 : f32 to vector<256x4096xf32>
    %select_n3A_117 = arith.select %eq3A_114, %broadcast_in_dim3A_116, %select_n3A_101 : vector<256x4096xi1>, vector<256x4096xf32>
    %reduce_min3A_118 = arith.constant dense<0x7F800000> : vector<256xf32>
    %reduce_min3A_119 = vector.multi_reduction <minimumf>, %select_n3A_117, %reduce_min3A_118 [1] : vector<256x4096xf32> to vector<256xf32>
    %broadcast_in_dim3A_120 = vector.shape_cast %reduce_min3A_119 : vector<256xf32> to vector<256x1xf32>
    %eq3A_121 = vector.broadcast %broadcast_in_dim3A_120 : vector<256x1xf32> to vector<256x4096xf32>
    %eq3A_122 = arith.cmpf oeq, %select_n3A_117, %eq3A_121 : vector<256x4096xf32>
    %jit3A_123 = arith.constant 4096 : i32
    %broadcast_in_dim3A_124 = vector.broadcast %jit3A_123 : i32 to vector<256x4096xi32>
    %select_n3A_125 = arith.select %eq3A_122, %iota3A, %broadcast_in_dim3A_124 : vector<256x4096xi1>, vector<256x4096xi32>
    %reduce_min3A_126 = arith.constant dense<2147483647> : vector<256xi32>
    %reduce_min3A_127 = vector.multi_reduction <minsi>, %select_n3A_125, %reduce_min3A_126 [1] : vector<256x4096xi32> to vector<256xi32>
    %broadcast_in_dim3A_128 = vector.shape_cast %reduce_min3A_127 : vector<256xi32> to vector<256x1xi32>
    %eq3A_129 = vector.broadcast %broadcast_in_dim3A_128 : vector<256x1xi32> to vector<256x4096xi32>
    %eq3A_130 = arith.cmpi eq, %iota3A, %eq3A_129 : vector<256x4096xi32>
    %jit3A_131 = arith.constant 0x7F800000 : f32
    %broadcast_in_dim3A_132 = vector.broadcast %jit3A_131 : f32 to vector<256x4096xf32>
    %select_n3A_133 = arith.select %eq3A_130, %broadcast_in_dim3A_132, %select_n3A_117 : vector<256x4096xi1>, vector<256x4096xf32>
    %reduce_min3A_134 = arith.constant dense<0x7F800000> : vector<256xf32>
    %reduce_min3A_135 = vector.multi_reduction <minimumf>, %select_n3A_133, %reduce_min3A_134 [1] : vector<256x4096xf32> to vector<256xf32>
    %broadcast_in_dim3A_136 = vector.shape_cast %reduce_min3A_135 : vector<256xf32> to vector<256x1xf32>
    %eq3A_137 = vector.broadcast %broadcast_in_dim3A_136 : vector<256x1xf32> to vector<256x4096xf32>
    %eq3A_138 = arith.cmpf oeq, %select_n3A_133, %eq3A_137 : vector<256x4096xf32>
    %jit3A_139 = arith.constant 4096 : i32
    %broadcast_in_dim3A_140 = vector.broadcast %jit3A_139 : i32 to vector<256x4096xi32>
    %select_n3A_141 = arith.select %eq3A_138, %iota3A, %broadcast_in_dim3A_140 : vector<256x4096xi1>, vector<256x4096xi32>
    %reduce_min3A_142 = arith.constant dense<2147483647> : vector<256xi32>
    %reduce_min3A_143 = vector.multi_reduction <minsi>, %select_n3A_141, %reduce_min3A_142 [1] : vector<256x4096xi32> to vector<256xi32>
    %broadcast_in_dim3A_144 = vector.shape_cast %reduce_min3A_143 : vector<256xi32> to vector<256x1xi32>
    %eq3A_145 = vector.broadcast %broadcast_in_dim3A_144 : vector<256x1xi32> to vector<256x4096xi32>
    %eq3A_146 = arith.cmpi eq, %iota3A, %eq3A_145 : vector<256x4096xi32>
    %jit3A_147 = arith.constant 0x7F800000 : f32
    %broadcast_in_dim3A_148 = vector.broadcast %jit3A_147 : f32 to vector<256x4096xf32>
    %select_n3A_149 = arith.select %eq3A_146, %broadcast_in_dim3A_148, %select_n3A_133 : vector<256x4096xi1>, vector<256x4096xf32>
    %reduce_min3A_150 = arith.constant dense<0x7F800000> : vector<256xf32>
    %reduce_min3A_151 = vector.multi_reduction <minimumf>, %select_n3A_149, %reduce_min3A_150 [1] : vector<256x4096xf32> to vector<256xf32>
    %broadcast_in_dim3A_152 = vector.shape_cast %reduce_min3A_151 : vector<256xf32> to vector<256x1xf32>
    %eq3A_153 = vector.broadcast %broadcast_in_dim3A_152 : vector<256x1xf32> to vector<256x4096xf32>
    %eq3A_154 = arith.cmpf oeq, %select_n3A_149, %eq3A_153 : vector<256x4096xf32>
    %jit3A_155 = arith.constant 4096 : i32
    %broadcast_in_dim3A_156 = vector.broadcast %jit3A_155 : i32 to vector<256x4096xi32>
    %select_n3A_157 = arith.select %eq3A_154, %iota3A, %broadcast_in_dim3A_156 : vector<256x4096xi1>, vector<256x4096xi32>
    %reduce_min3A_158 = arith.constant dense<2147483647> : vector<256xi32>
    %reduce_min3A_159 = vector.multi_reduction <minsi>, %select_n3A_157, %reduce_min3A_158 [1] : vector<256x4096xi32> to vector<256xi32>
    %broadcast_in_dim3A_160 = vector.shape_cast %reduce_min3A_159 : vector<256xi32> to vector<256x1xi32>
    %eq3A_161 = vector.broadcast %broadcast_in_dim3A_160 : vector<256x1xi32> to vector<256x4096xi32>
    %eq3A_162 = arith.cmpi eq, %iota3A, %eq3A_161 : vector<256x4096xi32>
    %jit3A_163 = arith.constant 0x7F800000 : f32
    %broadcast_in_dim3A_164 = vector.broadcast %jit3A_163 : f32 to vector<256x4096xf32>
    %select_n3A_165 = arith.select %eq3A_162, %broadcast_in_dim3A_164, %select_n3A_149 : vector<256x4096xi1>, vector<256x4096xf32>
    %reduce_min3A_166 = arith.constant dense<0x7F800000> : vector<256xf32>
    %reduce_min3A_167 = vector.multi_reduction <minimumf>, %select_n3A_165, %reduce_min3A_166 [1] : vector<256x4096xf32> to vector<256xf32>
    %broadcast_in_dim3A_168 = vector.shape_cast %reduce_min3A_167 : vector<256xf32> to vector<256x1xf32>
    %eq3A_169 = vector.broadcast %broadcast_in_dim3A_168 : vector<256x1xf32> to vector<256x4096xf32>
    %eq3A_170 = arith.cmpf oeq, %select_n3A_165, %eq3A_169 : vector<256x4096xf32>
    %jit3A_171 = arith.constant 4096 : i32
    %broadcast_in_dim3A_172 = vector.broadcast %jit3A_171 : i32 to vector<256x4096xi32>
    %select_n3A_173 = arith.select %eq3A_170, %iota3A, %broadcast_in_dim3A_172 : vector<256x4096xi1>, vector<256x4096xi32>
    %reduce_min3A_174 = arith.constant dense<2147483647> : vector<256xi32>
    %reduce_min3A_175 = vector.multi_reduction <minsi>, %select_n3A_173, %reduce_min3A_174 [1] : vector<256x4096xi32> to vector<256xi32>
    %broadcast_in_dim3A_176 = vector.shape_cast %reduce_min3A_175 : vector<256xi32> to vector<256x1xi32>
    %eq3A_177 = vector.broadcast %broadcast_in_dim3A_176 : vector<256x1xi32> to vector<256x4096xi32>
    %eq3A_178 = arith.cmpi eq, %iota3A, %eq3A_177 : vector<256x4096xi32>
    %jit3A_179 = arith.constant 0x7F800000 : f32
    %broadcast_in_dim3A_180 = vector.broadcast %jit3A_179 : f32 to vector<256x4096xf32>
    %select_n3A_181 = arith.select %eq3A_178, %broadcast_in_dim3A_180, %select_n3A_165 : vector<256x4096xi1>, vector<256x4096xf32>
    %reduce_min3A_182 = arith.constant dense<0x7F800000> : vector<256xf32>
    %reduce_min3A_183 = vector.multi_reduction <minimumf>, %select_n3A_181, %reduce_min3A_182 [1] : vector<256x4096xf32> to vector<256xf32>
    %broadcast_in_dim3A_184 = vector.shape_cast %reduce_min3A_183 : vector<256xf32> to vector<256x1xf32>
    %eq3A_185 = vector.broadcast %broadcast_in_dim3A_184 : vector<256x1xf32> to vector<256x4096xf32>
    %eq3A_186 = arith.cmpf oeq, %select_n3A_181, %eq3A_185 : vector<256x4096xf32>
    %jit3A_187 = arith.constant 4096 : i32
    %broadcast_in_dim3A_188 = vector.broadcast %jit3A_187 : i32 to vector<256x4096xi32>
    %select_n3A_189 = arith.select %eq3A_186, %iota3A, %broadcast_in_dim3A_188 : vector<256x4096xi1>, vector<256x4096xi32>
    %reduce_min3A_190 = arith.constant dense<2147483647> : vector<256xi32>
    %reduce_min3A_191 = vector.multi_reduction <minsi>, %select_n3A_189, %reduce_min3A_190 [1] : vector<256x4096xi32> to vector<256xi32>
    %broadcast_in_dim3A_192 = vector.shape_cast %reduce_min3A_191 : vector<256xi32> to vector<256x1xi32>
    %eq3A_193 = vector.broadcast %broadcast_in_dim3A_192 : vector<256x1xi32> to vector<256x4096xi32>
    %eq3A_194 = arith.cmpi eq, %iota3A, %eq3A_193 : vector<256x4096xi32>
    %jit3A_195 = arith.constant 0x7F800000 : f32
    %broadcast_in_dim3A_196 = vector.broadcast %jit3A_195 : f32 to vector<256x4096xf32>
    %select_n3A_197 = arith.select %eq3A_194, %broadcast_in_dim3A_196, %select_n3A_181 : vector<256x4096xi1>, vector<256x4096xf32>
    %reduce_min3A_198 = arith.constant dense<0x7F800000> : vector<256xf32>
    %reduce_min3A_199 = vector.multi_reduction <minimumf>, %select_n3A_197, %reduce_min3A_198 [1] : vector<256x4096xf32> to vector<256xf32>
    %broadcast_in_dim3A_200 = vector.shape_cast %reduce_min3A_199 : vector<256xf32> to vector<256x1xf32>
    %eq3A_201 = vector.broadcast %broadcast_in_dim3A_200 : vector<256x1xf32> to vector<256x4096xf32>
    %eq3A_202 = arith.cmpf oeq, %select_n3A_197, %eq3A_201 : vector<256x4096xf32>
    %jit3A_203 = arith.constant 4096 : i32
    %broadcast_in_dim3A_204 = vector.broadcast %jit3A_203 : i32 to vector<256x4096xi32>
    %select_n3A_205 = arith.select %eq3A_202, %iota3A, %broadcast_in_dim3A_204 : vector<256x4096xi1>, vector<256x4096xi32>
    %reduce_min3A_206 = arith.constant dense<2147483647> : vector<256xi32>
    %reduce_min3A_207 = vector.multi_reduction <minsi>, %select_n3A_205, %reduce_min3A_206 [1] : vector<256x4096xi32> to vector<256xi32>
    %broadcast_in_dim3A_208 = vector.shape_cast %reduce_min3A_207 : vector<256xi32> to vector<256x1xi32>
    %eq3A_209 = vector.broadcast %broadcast_in_dim3A_208 : vector<256x1xi32> to vector<256x4096xi32>
    %eq3A_210 = arith.cmpi eq, %iota3A, %eq3A_209 : vector<256x4096xi32>
    %jit3A_211 = arith.constant 0x7F800000 : f32
    %broadcast_in_dim3A_212 = vector.broadcast %jit3A_211 : f32 to vector<256x4096xf32>
    %select_n3A_213 = arith.select %eq3A_210, %broadcast_in_dim3A_212, %select_n3A_197 : vector<256x4096xi1>, vector<256x4096xf32>
    %reduce_min3A_214 = arith.constant dense<0x7F800000> : vector<256xf32>
    %reduce_min3A_215 = vector.multi_reduction <minimumf>, %select_n3A_213, %reduce_min3A_214 [1] : vector<256x4096xf32> to vector<256xf32>
    %broadcast_in_dim3A_216 = vector.shape_cast %reduce_min3A_215 : vector<256xf32> to vector<256x1xf32>
    %eq3A_217 = vector.broadcast %broadcast_in_dim3A_216 : vector<256x1xf32> to vector<256x4096xf32>
    %eq3A_218 = arith.cmpf oeq, %select_n3A_213, %eq3A_217 : vector<256x4096xf32>
    %jit3A_219 = arith.constant 4096 : i32
    %broadcast_in_dim3A_220 = vector.broadcast %jit3A_219 : i32 to vector<256x4096xi32>
    %select_n3A_221 = arith.select %eq3A_218, %iota3A, %broadcast_in_dim3A_220 : vector<256x4096xi1>, vector<256x4096xi32>
    %reduce_min3A_222 = arith.constant dense<2147483647> : vector<256xi32>
    %reduce_min3A_223 = vector.multi_reduction <minsi>, %select_n3A_221, %reduce_min3A_222 [1] : vector<256x4096xi32> to vector<256xi32>
    %broadcast_in_dim3A_224 = vector.shape_cast %reduce_min3A_223 : vector<256xi32> to vector<256x1xi32>
    %eq3A_225 = vector.broadcast %broadcast_in_dim3A_224 : vector<256x1xi32> to vector<256x4096xi32>
    %eq3A_226 = arith.cmpi eq, %iota3A, %eq3A_225 : vector<256x4096xi32>
    %jit3A_227 = arith.constant 0x7F800000 : f32
    %broadcast_in_dim3A_228 = vector.broadcast %jit3A_227 : f32 to vector<256x4096xf32>
    %select_n3A_229 = arith.select %eq3A_226, %broadcast_in_dim3A_228, %select_n3A_213 : vector<256x4096xi1>, vector<256x4096xf32>
    %reduce_min3A_230 = arith.constant dense<0x7F800000> : vector<256xf32>
    %reduce_min3A_231 = vector.multi_reduction <minimumf>, %select_n3A_229, %reduce_min3A_230 [1] : vector<256x4096xf32> to vector<256xf32>
    %broadcast_in_dim3A_232 = vector.shape_cast %reduce_min3A_231 : vector<256xf32> to vector<256x1xf32>
    %eq3A_233 = vector.broadcast %broadcast_in_dim3A_232 : vector<256x1xf32> to vector<256x4096xf32>
    %eq3A_234 = arith.cmpf oeq, %select_n3A_229, %eq3A_233 : vector<256x4096xf32>
    %jit3A_235 = arith.constant 4096 : i32
    %broadcast_in_dim3A_236 = vector.broadcast %jit3A_235 : i32 to vector<256x4096xi32>
    %select_n3A_237 = arith.select %eq3A_234, %iota3A, %broadcast_in_dim3A_236 : vector<256x4096xi1>, vector<256x4096xi32>
    %reduce_min3A_238 = arith.constant dense<2147483647> : vector<256xi32>
    %reduce_min3A_239 = vector.multi_reduction <minsi>, %select_n3A_237, %reduce_min3A_238 [1] : vector<256x4096xi32> to vector<256xi32>
    %broadcast_in_dim3A_240 = vector.shape_cast %reduce_min3A_239 : vector<256xi32> to vector<256x1xi32>
    %eq3A_241 = vector.broadcast %broadcast_in_dim3A_240 : vector<256x1xi32> to vector<256x4096xi32>
    %eq3A_242 = arith.cmpi eq, %iota3A, %eq3A_241 : vector<256x4096xi32>
    %jit3A_243 = arith.constant 0x7F800000 : f32
    %broadcast_in_dim3A_244 = vector.broadcast %jit3A_243 : f32 to vector<256x4096xf32>
    %select_n3A_245 = arith.select %eq3A_242, %broadcast_in_dim3A_244, %select_n3A_229 : vector<256x4096xi1>, vector<256x4096xf32>
    %reduce_min3A_246 = arith.constant dense<0x7F800000> : vector<256xf32>
    %reduce_min3A_247 = vector.multi_reduction <minimumf>, %select_n3A_245, %reduce_min3A_246 [1] : vector<256x4096xf32> to vector<256xf32>
    %broadcast_in_dim3A_248 = vector.shape_cast %reduce_min3A_247 : vector<256xf32> to vector<256x1xf32>
    %eq3A_249 = vector.broadcast %broadcast_in_dim3A_248 : vector<256x1xf32> to vector<256x4096xf32>
    %eq3A_250 = arith.cmpf oeq, %select_n3A_245, %eq3A_249 : vector<256x4096xf32>
    %jit3A_251 = arith.constant 4096 : i32
    %broadcast_in_dim3A_252 = vector.broadcast %jit3A_251 : i32 to vector<256x4096xi32>
    %select_n3A_253 = arith.select %eq3A_250, %iota3A, %broadcast_in_dim3A_252 : vector<256x4096xi1>, vector<256x4096xi32>
    %reduce_min3A_254 = arith.constant dense<2147483647> : vector<256xi32>
    %reduce_min3A_255 = vector.multi_reduction <minsi>, %select_n3A_253, %reduce_min3A_254 [1] : vector<256x4096xi32> to vector<256xi32>
    %broadcast_in_dim3A_256 = vector.shape_cast %reduce_min3A_255 : vector<256xi32> to vector<256x1xi32>
    %eq3A_257 = vector.broadcast %broadcast_in_dim3A_256 : vector<256x1xi32> to vector<256x4096xi32>
    %eq3A_258 = arith.cmpi eq, %iota3A, %eq3A_257 : vector<256x4096xi32>
    %jit3A_259 = arith.constant 0x7F800000 : f32
    %broadcast_in_dim3A_260 = vector.broadcast %jit3A_259 : f32 to vector<256x4096xf32>
    %select_n3A_261 = arith.select %eq3A_258, %broadcast_in_dim3A_260, %select_n3A_245 : vector<256x4096xi1>, vector<256x4096xf32>
    %reduce_min3A_262 = arith.constant dense<0x7F800000> : vector<256xf32>
    %reduce_min3A_263 = vector.multi_reduction <minimumf>, %select_n3A_261, %reduce_min3A_262 [1] : vector<256x4096xf32> to vector<256xf32>
    %broadcast_in_dim3A_264 = vector.shape_cast %reduce_min3A_263 : vector<256xf32> to vector<256x1xf32>
    %eq3A_265 = vector.broadcast %broadcast_in_dim3A_264 : vector<256x1xf32> to vector<256x4096xf32>
    %eq3A_266 = arith.cmpf oeq, %select_n3A_261, %eq3A_265 : vector<256x4096xf32>
    %jit3A_267 = arith.constant 4096 : i32
    %broadcast_in_dim3A_268 = vector.broadcast %jit3A_267 : i32 to vector<256x4096xi32>
    %select_n3A_269 = arith.select %eq3A_266, %iota3A, %broadcast_in_dim3A_268 : vector<256x4096xi1>, vector<256x4096xi32>
    %reduce_min3A_270 = arith.constant dense<2147483647> : vector<256xi32>
    %reduce_min3A_271 = vector.multi_reduction <minsi>, %select_n3A_269, %reduce_min3A_270 [1] : vector<256x4096xi32> to vector<256xi32>
    %broadcast_in_dim3A_272 = vector.shape_cast %reduce_min3A_271 : vector<256xi32> to vector<256x1xi32>
    %concatenate3A = tpu.concatenate %broadcast_in_dim3A_32, %broadcast_in_dim3A_48, %broadcast_in_dim3A_64, %broadcast_in_dim3A_80, %broadcast_in_dim3A_96, %broadcast_in_dim3A_112, %broadcast_in_dim3A_128, %broadcast_in_dim3A_144, %broadcast_in_dim3A_160, %broadcast_in_dim3A_176, %broadcast_in_dim3A_192, %broadcast_in_dim3A_208, %broadcast_in_dim3A_224, %broadcast_in_dim3A_240, %broadcast_in_dim3A_256, %broadcast_in_dim3A_272 in 1 : vector<256x1xi32>, vector<256x1xi32>, vector<256x1xi32>, vector<256x1xi32>, vector<256x1xi32>, vector<256x1xi32>, vector<256x1xi32>, vector<256x1xi32>, vector<256x1xi32>, vector<256x1xi32>, vector<256x1xi32>, vector<256x1xi32>, vector<256x1xi32>, vector<256x1xi32>, vector<256x1xi32>, vector<256x1xi32> -> vector<256x16xi32>
    %add3A_273 = vector.broadcast %mul3A_26 : i32 to vector<256x16xi32>
    %add3A_274 = arith.addi %concatenate3A, %add3A_273 : vector<256x16xi32>
    %swap3A = arith.constant 0 : index
    %swap3A_275 = arith.constant 0 : index
    %swap3A_276 = arith.constant 0 : index
    %swap3A_277 = vector.load %arg4[%swap3A, %swap3A_275, %swap3A_276] : memref<1x256x16xi32, #tpu.memory_space<vmem>>, vector<1x256x16xi32>
    %swap3A_278 = vector.shape_cast %swap3A_277 : vector<1x256x16xi32> to vector<256x16xi32>
    %swap3A_279 = vector.shape_cast %add3A_274 : vector<256x16xi32> to vector<1x256x16xi32>
    tpu.vector_store %arg4[%swap3A, %swap3A_275, %swap3A_276], %swap3A_279 {strides = array<i32>} : memref<1x256x16xi32, #tpu.memory_space<vmem>>, vector<1x256x16xi32>,
    return
  }
  func.func @transform_0(%arg0: i32, %arg1: i32) -> (i32, i32, i32) {
    %c0_i32 = arith.constant 0 : i32
    %c0_i32_0 = arith.constant 0 : i32
    return %arg0, %arg1, %c0_i32 : i32, i32, i32
  }
  func.func @transform_1(%arg0: i32, %arg1: i32) -> (i32, i32, i32) {
    %c0_i32 = arith.constant 0 : i32
    %c0_i32_0 = arith.constant 0 : i32
    %c0_i32_1 = arith.constant 0 : i32
    return %arg0, %c0_i32, %c0_i32_0 : i32, i32, i32
  }
  func.func @transform_2(%arg0: i32, %arg1: i32) -> (i32, i32, i32) {
    %c0_i32 = arith.constant 0 : i32
    %c0_i32_0 = arith.constant 0 : i32
    return %arg0, %arg1, %c0_i32 : i32, i32, i32
  }
}

module attributes {stable_mosaic.version = 14 : i64} {
  func.func @_fps_body(%arg0: memref<12x4096xf32, #tpu.memory_space<vmem>>, %arg1: memref<4x3x1024xf32, #tpu.memory_space<vmem>>) attributes {dimension_semantics = [], scalar_prefetch = 0 : i64, scratch_operands = 0 : i64, tpu.core_type = #tpu.core_type<tc>} {
    %get3A = arith.constant 0 : index
    %get3A_0 = arith.constant 0 : index
    %get3A_1 = vector.load %arg0[%get3A, %get3A_0] : memref<12x4096xf32, #tpu.memory_space<vmem>>, vector<12x4096xf32>
    %slice3A = vector.extract_strided_slice %get3A_1 {offsets = [0, 0], sizes = [4, 4096], strides = [1, 1]} : vector<12x4096xf32> to vector<4x4096xf32>
    %slice3A_2 = vector.extract_strided_slice %get3A_1 {offsets = [4, 0], sizes = [4, 4096], strides = [1, 1]} : vector<12x4096xf32> to vector<4x4096xf32>
    %slice3A_3 = vector.extract_strided_slice %get3A_1 {offsets = [8, 0], sizes = [4, 4096], strides = [1, 1]} : vector<12x4096xf32> to vector<4x4096xf32>
    %iota3A = tpu.iota {dimensions = array<i32: 1>} : vector<4x4096xi32>
    %iota3A_4 = tpu.iota {dimensions = array<i32: 1>} : vector<12x4096xi32>
    %iota3A_5 = tpu.iota {dimensions = array<i32: 2>} : vector<4x3x1024xi32>
    %broadcast_in_dim3A = arith.constant 1.000000e+10 : f32
    %broadcast_in_dim3A_6 = vector.broadcast %broadcast_in_dim3A : f32 to vector<4x4096xf32>
    %broadcast_in_dim3A_7 = arith.constant 0 : i32
    %broadcast_in_dim3A_8 = vector.broadcast %broadcast_in_dim3A_7 : i32 to vector<4x1xi32>
    %broadcast_in_dim3A_9 = arith.constant 0.000000e+00 : f32
    %broadcast_in_dim3A_10 = vector.broadcast %broadcast_in_dim3A_9 : f32 to vector<4x3x1024xf32>
    %scan3A = arith.constant 0 : i32
    %scan3A_11 = arith.constant 1024 : i32
    %scan3A_12 = arith.addi %scan3A, %scan3A_11 : i32
    %scan3A_13 = arith.constant 1 : i32
    %scan3A_14:3 = scf.for %scan3A_19 = %scan3A to %scan3A_12 step %scan3A_13 iter_args(%scan3A_20 = %broadcast_in_dim3A_6, %scan3A_21 = %broadcast_in_dim3A_8, %scan3A_22 = %broadcast_in_dim3A_10) -> (vector<4x4096xf32>, vector<4x1xi32>, vector<4x3x1024xf32>)  : i32 {
      %concatenate3A = tpu.concatenate %scan3A_21, %scan3A_21, %scan3A_21 in 0 : vector<4x1xi32>, vector<4x1xi32>, vector<4x1xi32> -> vector<12x1xi32>
      %eq3A = vector.broadcast %concatenate3A : vector<12x1xi32> to vector<12x4096xi32>
      %eq3A_23 = arith.cmpi eq, %iota3A_4, %eq3A : vector<12x4096xi32>
      %jit3A = arith.constant 0.000000e+00 : f32
      %broadcast_in_dim3A_24 = vector.broadcast %jit3A : f32 to vector<12x4096xf32>
      %select_n3A = arith.select %eq3A_23, %get3A_1, %broadcast_in_dim3A_24 : vector<12x4096xi1>, vector<12x4096xf32>
      %reduce_sum3A = arith.constant dense<0.000000e+00> : vector<12xf32>
      %reduce_sum3A_25 = vector.multi_reduction <add>, %select_n3A, %reduce_sum3A [1] : vector<12x4096xf32> to vector<12xf32>
      %broadcast_in_dim3A_26 = vector.shape_cast %reduce_sum3A_25 : vector<12xf32> to vector<12x1xf32>
      %slice3A_27 = vector.extract_strided_slice %broadcast_in_dim3A_26 {offsets = [0, 0], sizes = [4, 1], strides = [1, 1]} : vector<12x1xf32> to vector<4x1xf32>
      %slice3A_28 = vector.extract_strided_slice %broadcast_in_dim3A_26 {offsets = [4, 0], sizes = [4, 1], strides = [1, 1]} : vector<12x1xf32> to vector<4x1xf32>
      %slice3A_29 = vector.extract_strided_slice %broadcast_in_dim3A_26 {offsets = [8, 0], sizes = [4, 1], strides = [1, 1]} : vector<12x1xf32> to vector<4x1xf32>
      %concatenate3A_30 = tpu.concatenate %slice3A_27, %slice3A_28, %slice3A_29 in 1 : vector<4x1xf32>, vector<4x1xf32>, vector<4x1xf32> -> vector<4x3xf32>
      %eq3A_31 = vector.broadcast %scan3A_19 : i32 to vector<4x3x1024xi32>
      %eq3A_32 = arith.cmpi eq, %iota3A_5, %eq3A_31 : vector<4x3x1024xi32>
      %broadcast_in_dim3A_33 = vector.shape_cast %concatenate3A_30 : vector<4x3xf32> to vector<4x3x1xf32>
      %broadcast_in_dim3A_34 = vector.shape_cast %broadcast_in_dim3A_33 : vector<4x3x1xf32> to vector<4x3x1xf32>
      %broadcast_in_dim3A_35 = vector.broadcast %broadcast_in_dim3A_34 : vector<4x3x1xf32> to vector<4x3x1024xf32>
      %select_n3A_36 = arith.select %eq3A_32, %broadcast_in_dim3A_35, %scan3A_22 : vector<4x3x1024xi1>, vector<4x3x1024xf32>
      %sub3A = vector.broadcast %slice3A_27 : vector<4x1xf32> to vector<4x4096xf32>
      %sub3A_37 = arith.subf %slice3A, %sub3A : vector<4x4096xf32>
      %sub3A_38 = vector.broadcast %slice3A_28 : vector<4x1xf32> to vector<4x4096xf32>
      %sub3A_39 = arith.subf %slice3A_2, %sub3A_38 : vector<4x4096xf32>
      %sub3A_40 = vector.broadcast %slice3A_29 : vector<4x1xf32> to vector<4x4096xf32>
      %sub3A_41 = arith.subf %slice3A_3, %sub3A_40 : vector<4x4096xf32>
      %mul3A = arith.mulf %sub3A_37, %sub3A_37 : vector<4x4096xf32>
      %mul3A_42 = arith.mulf %sub3A_39, %sub3A_39 : vector<4x4096xf32>
      %add3A = arith.addf %mul3A, %mul3A_42 : vector<4x4096xf32>
      %mul3A_43 = arith.mulf %sub3A_41, %sub3A_41 : vector<4x4096xf32>
      %add3A_44 = arith.addf %add3A, %mul3A_43 : vector<4x4096xf32>
      %min3A = arith.minimumf %scan3A_20, %add3A_44 : vector<4x4096xf32>
      %reduce_max3A = arith.constant dense<0xFF800000> : vector<4xf32>
      %reduce_max3A_45 = vector.multi_reduction <maximumf>, %min3A, %reduce_max3A [1] : vector<4x4096xf32> to vector<4xf32>
      %broadcast_in_dim3A_46 = vector.shape_cast %reduce_max3A_45 : vector<4xf32> to vector<4x1xf32>
      %eq3A_47 = vector.broadcast %broadcast_in_dim3A_46 : vector<4x1xf32> to vector<4x4096xf32>
      %eq3A_48 = arith.cmpf oeq, %min3A, %eq3A_47 : vector<4x4096xf32>
      %jit3A_49 = arith.constant 4096 : i32
      %broadcast_in_dim3A_50 = vector.broadcast %jit3A_49 : i32 to vector<4x4096xi32>
      %select_n3A_51 = arith.select %eq3A_48, %iota3A, %broadcast_in_dim3A_50 : vector<4x4096xi1>, vector<4x4096xi32>
      %reduce_min3A = arith.constant dense<2147483647> : vector<4xi32>
      %reduce_min3A_52 = vector.multi_reduction <minsi>, %select_n3A_51, %reduce_min3A [1] : vector<4x4096xi32> to vector<4xi32>
      %broadcast_in_dim3A_53 = vector.shape_cast %reduce_min3A_52 : vector<4xi32> to vector<4x1xi32>
      scf.yield %min3A, %broadcast_in_dim3A_53, %select_n3A_36 : vector<4x4096xf32>, vector<4x1xi32>, vector<4x3x1024xf32>
    }
    %scan3A_15 = arith.constant 1024 : i32
    %swap3A = arith.constant 0 : index
    %swap3A_16 = arith.constant 0 : index
    %swap3A_17 = arith.constant 0 : index
    %swap3A_18 = vector.load %arg1[%swap3A, %swap3A_16, %swap3A_17] : memref<4x3x1024xf32, #tpu.memory_space<vmem>>, vector<4x3x1024xf32>
    tpu.vector_store %arg1[%swap3A, %swap3A_16, %swap3A_17], %scan3A_14#2 {strides = array<i32>} : memref<4x3x1024xf32, #tpu.memory_space<vmem>>, vector<4x3x1024xf32>,
    return
  }
}

module attributes {stable_mosaic.version = 14 : i64} {
  func.func @_format_body(%arg0: i32, %arg1: i32, %arg2: memref<1x3x512xf32, #tpu.memory_space<vmem>>, %arg3: memref<1x128x512xf32, #tpu.memory_space<vmem>>, %arg4: memref<512x144xf32, #tpu.memory_space<vmem>>) attributes {dimension_semantics = [#tpu.dimension_semantics<arbitrary>, #tpu.dimension_semantics<arbitrary>], iteration_bounds = array<i64: 4, 8>, scalar_prefetch = 0 : i64, scratch_operands = 0 : i64, tpu.core_type = #tpu.core_type<tc>, window_params = [{transform_indices = @transform_0, window_bounds = array<i64: 1, 3, 512>}, {transform_indices = @transform_1, window_bounds = array<i64: 1, 128, 512>}, {transform_indices = @transform_2, window_bounds = array<i64: 512, 144>}]} {
    %get3A = arith.constant 0 : index
    %get3A_0 = arith.constant 0 : index
    %get3A_1 = arith.constant 0 : index
    %get3A_2 = vector.load %arg2[%get3A, %get3A_0, %get3A_1] : memref<1x3x512xf32, #tpu.memory_space<vmem>>, vector<1x3x512xf32>
    %get3A_3 = vector.shape_cast %get3A_2 : vector<1x3x512xf32> to vector<3x512xf32>
    %get3A_4 = arith.constant 0 : index
    %get3A_5 = arith.constant 0 : index
    %get3A_6 = arith.constant 0 : index
    %get3A_7 = vector.load %arg3[%get3A_4, %get3A_5, %get3A_6] : memref<1x128x512xf32, #tpu.memory_space<vmem>>, vector<1x128x512xf32>
    %get3A_8 = vector.shape_cast %get3A_7 : vector<1x128x512xf32> to vector<128x512xf32>
    %broadcast_in_dim3A = arith.constant 0.000000e+00 : f32
    %broadcast_in_dim3A_9 = vector.broadcast %broadcast_in_dim3A : f32 to vector<512x13xf32>
    %transpose3A = tpu.transpose %get3A_3, [1, 0] : vector<3x512xf32> -> vector<512x3xf32>
    %transpose3A_10 = tpu.transpose %get3A_8, [1, 0] : vector<128x512xf32> -> vector<512x128xf32>
    %concatenate3A = tpu.concatenate %transpose3A, %transpose3A_10, %broadcast_in_dim3A_9 in 1 : vector<512x3xf32>, vector<512x128xf32>, vector<512x13xf32> -> vector<512x144xf32>
    %swap3A = arith.constant 0 : index
    %swap3A_11 = arith.constant 0 : index
    %swap3A_12 = vector.load %arg4[%swap3A, %swap3A_11] : memref<512x144xf32, #tpu.memory_space<vmem>>, vector<512x144xf32>
    tpu.vector_store %arg4[%swap3A, %swap3A_11], %concatenate3A {strides = array<i32>} : memref<512x144xf32, #tpu.memory_space<vmem>>, vector<512x144xf32>,
    return
  }
  func.func @transform_0(%arg0: i32, %arg1: i32) -> (i32, i32, i32) {
    %c0_i32 = arith.constant 0 : i32
    %c0_i32_0 = arith.constant 0 : i32
    return %arg0, %c0_i32, %arg1 : i32, i32, i32
  }
  func.func @transform_1(%arg0: i32, %arg1: i32) -> (i32, i32, i32) {
    %c0_i32 = arith.constant 0 : i32
    %c0_i32_0 = arith.constant 0 : i32
    return %arg0, %c0_i32, %arg1 : i32, i32, i32
  }
  func.func @transform_2(%arg0: i32, %arg1: i32) -> (i32, i32) {
    %mul3A = arith.constant 8 : i32
    %mul3A_0 = arith.muli %arg0, %mul3A : i32
    %add3A = arith.addi %mul3A_0, %arg1 : i32
    %c0_i32 = arith.constant 0 : i32
    %c0_i32_1 = arith.constant 0 : i32
    return %add3A, %c0_i32 : i32, i32
  }
}

module attributes {stable_mosaic.version = 14 : i64} {
  func.func @_passA_body(%arg0: i32, %arg1: memref<2048x144xf32, #tpu.memory_space<vmem>>, %arg2: memref<128x3xf32, #tpu.memory_space<vmem>>, %arg3: memref<144x128xf32, #tpu.memory_space<vmem>>, %arg4: memref<3x128xf32, #tpu.memory_space<vmem>>, %arg5: memref<1x128xf32, #tpu.memory_space<vmem>>, %arg6: memref<2048x128xf32, #tpu.memory_space<vmem>>, %arg7: memref<1x3x128x16xf32, #tpu.memory_space<vmem>>, %arg8: memref<8x128xf32, #tpu.memory_space<vmem>>) attributes {dimension_semantics = [#tpu.dimension_semantics<arbitrary>], iteration_bounds = array<i64: 32>, scalar_prefetch = 0 : i64, scratch_operands = 0 : i64, tpu.core_type = #tpu.core_type<tc>, window_params = [{transform_indices = @transform_0, window_bounds = array<i64: 2048, 144>}, {transform_indices = @transform_1, window_bounds = array<i64: 128, 3>}, {pipeline_mode = #tpu.pipeline_mode<synchronous>, transform_indices = @transform_2, window_bounds = array<i64: 144, 128>}, {pipeline_mode = #tpu.pipeline_mode<synchronous>, transform_indices = @transform_3, window_bounds = array<i64: 3, 128>}, {pipeline_mode = #tpu.pipeline_mode<synchronous>, transform_indices = @transform_4, window_bounds = array<i64: 1, 128>}, {transform_indices = @transform_5, window_bounds = array<i64: 2048, 128>}, {transform_indices = @transform_6, window_bounds = array<i64: 1, 3, 128, 16>}, {pipeline_mode = #tpu.pipeline_mode<synchronous>, transform_indices = @transform_7, window_bounds = array<i64: 8, 128>}]} {
    %get3A = arith.constant 0 : index
    %get3A_0 = arith.constant 0 : index
    %get3A_1 = vector.load %arg1[%get3A, %get3A_0] : memref<2048x144xf32, #tpu.memory_space<vmem>>, vector<2048x144xf32>
    %get3A_2 = arith.constant 0 : index
    %get3A_3 = arith.constant 0 : index
    %get3A_4 = vector.load %arg2[%get3A_2, %get3A_3] : memref<128x3xf32, #tpu.memory_space<vmem>>, vector<128x3xf32>
    %broadcast_in_dim3A = vector.shape_cast %get3A_4 : vector<128x3xf32> to vector<128x1x3xf32>
    %broadcast_in_dim3A_5 = vector.shape_cast %broadcast_in_dim3A : vector<128x1x3xf32> to vector<128x1x3xf32>
    %broadcast_in_dim3A_6 = vector.broadcast %broadcast_in_dim3A_5 : vector<128x1x3xf32> to vector<128x16x3xf32>
    %reshape3A = vector.shape_cast %broadcast_in_dim3A_6 : vector<128x16x3xf32> to vector<2048x3xf32>
    %slice3A = vector.extract_strided_slice %get3A_1 {offsets = [0, 0], sizes = [2048, 3], strides = [1, 1]} : vector<2048x144xf32> to vector<2048x3xf32>
    %sub3A = arith.subf %slice3A, %reshape3A : vector<2048x3xf32>
    %transpose3A = tpu.transpose %sub3A, [1, 0] : vector<2048x3xf32> -> vector<3x2048xf32>
    %reshape3A_7 = vector.shape_cast %transpose3A : vector<3x2048xf32> to vector<3x128x16xf32>
    %swap3A = arith.constant 0 : index
    %swap3A_8 = arith.constant 0 : index
    %swap3A_9 = arith.constant 0 : index
    %swap3A_10 = arith.constant 0 : index
    %swap3A_11 = vector.load %arg7[%swap3A, %swap3A_8, %swap3A_9, %swap3A_10] : memref<1x3x128x16xf32, #tpu.memory_space<vmem>>, vector<1x3x128x16xf32>
    %swap3A_12 = vector.shape_cast %swap3A_11 : vector<1x3x128x16xf32> to vector<3x128x16xf32>
    %swap3A_13 = vector.shape_cast %reshape3A_7 : vector<3x128x16xf32> to vector<1x3x128x16xf32>
    tpu.vector_store %arg7[%swap3A, %swap3A_8, %swap3A_9, %swap3A_10], %swap3A_13 {strides = array<i32>} : memref<1x3x128x16xf32, #tpu.memory_space<vmem>>, vector<1x3x128x16xf32>,
    %get3A_14 = arith.constant 0 : index
    %get3A_15 = arith.constant 0 : index
    %get3A_16 = vector.load %arg3[%get3A_14, %get3A_15] : memref<144x128xf32, #tpu.memory_space<vmem>>, vector<144x128xf32>
    %dot_general3A = arith.constant dense<0.000000e+00> : vector<2048x128xf32>
    %dot_general3A_17 = tpu.matmul %get3A_1, %get3A_16, %dot_general3A {dimension_numbers = #tpu.dot_dimension_numbers<[1], [0], [0], [1], [0, 0, 1, 1], [], []>, transpose_lhs_hint = false} : vector<2048x144xf32>, vector<144x128xf32>, vector<2048x128xf32> -> vector<2048x128xf32>
    %get3A_18 = arith.constant 0 : index
    %get3A_19 = arith.constant 0 : index
    %get3A_20 = vector.load %arg4[%get3A_18, %get3A_19] : memref<3x128xf32, #tpu.memory_space<vmem>>, vector<3x128xf32>
    %dot_general3A_21 = arith.constant dense<0.000000e+00> : vector<128x128xf32>
    %dot_general3A_22 = tpu.matmul %get3A_4, %get3A_20, %dot_general3A_21 {dimension_numbers = #tpu.dot_dimension_numbers<[1], [0], [0], [1], [0, 0, 1, 1], [], []>, transpose_lhs_hint = false} : vector<128x3xf32>, vector<3x128xf32>, vector<128x128xf32> -> vector<128x128xf32>
    %broadcast_in_dim3A_23 = vector.shape_cast %dot_general3A_22 : vector<128x128xf32> to vector<128x1x128xf32>
    %broadcast_in_dim3A_24 = vector.shape_cast %broadcast_in_dim3A_23 : vector<128x1x128xf32> to vector<128x1x128xf32>
    %broadcast_in_dim3A_25 = vector.broadcast %broadcast_in_dim3A_24 : vector<128x1x128xf32> to vector<128x16x128xf32>
    %reshape3A_26 = vector.shape_cast %broadcast_in_dim3A_25 : vector<128x16x128xf32> to vector<2048x128xf32>
    %sub3A_27 = arith.subf %dot_general3A_17, %reshape3A_26 : vector<2048x128xf32>
    %get3A_28 = arith.constant 0 : index
    %get3A_29 = arith.constant 0 : index
    %get3A_30 = vector.load %arg5[%get3A_28, %get3A_29] : memref<1x128xf32, #tpu.memory_space<vmem>>, vector<1x128xf32>
    %add3A = vector.broadcast %get3A_30 : vector<1x128xf32> to vector<2048x128xf32>
    %add3A_31 = arith.addf %sub3A_27, %add3A : vector<2048x128xf32>
    %swap3A_32 = arith.constant 0 : index
    %swap3A_33 = arith.constant 0 : index
    %swap3A_34 = vector.load %arg6[%swap3A_32, %swap3A_33] : memref<2048x128xf32, #tpu.memory_space<vmem>>, vector<2048x128xf32>
    tpu.vector_store %arg6[%swap3A_32, %swap3A_33], %add3A_31 {strides = array<i32>} : memref<2048x128xf32, #tpu.memory_space<vmem>>, vector<2048x128xf32>,
    %eq3A = arith.constant 0 : i32
    %eq3A_35 = arith.cmpi eq, %arg0, %eq3A : i32
    %convert_element_type3A = arith.extui %eq3A_35 : i1 to i32
    %cond3A = arith.constant 0 : i32
    %cond3A_36 = arith.cmpi ne, %convert_element_type3A, %cond3A : i32
    scf.if %cond3A_36 {
      %broadcast_in_dim3A_56 = arith.constant 0.000000e+00 : f32
      %broadcast_in_dim3A_57 = vector.broadcast %broadcast_in_dim3A_56 : f32 to vector<8x128xf32>
      %swap3A_58 = arith.constant 0 : index
      %swap3A_59 = arith.constant 0 : index
      %swap3A_60 = vector.load %arg8[%swap3A_58, %swap3A_59] : memref<8x128xf32, #tpu.memory_space<vmem>>, vector<8x128xf32>
      tpu.vector_store %arg8[%swap3A_58, %swap3A_59], %broadcast_in_dim3A_57 {strides = array<i32>} : memref<8x128xf32, #tpu.memory_space<vmem>>, vector<8x128xf32>,
    } else {
    }
    %get3A_37 = arith.constant 0 : index
    %get3A_38 = arith.constant 0 : index
    %get3A_39 = vector.load %arg8[%get3A_37, %get3A_38] : memref<8x128xf32, #tpu.memory_space<vmem>>, vector<1x128xf32>
    %reduce_sum3A = arith.constant dense<0.000000e+00> : vector<128xf32>
    %reduce_sum3A_40 = vector.multi_reduction <add>, %add3A_31, %reduce_sum3A [0] : vector<2048x128xf32> to vector<128xf32>
    %broadcast_in_dim3A_41 = vector.shape_cast %reduce_sum3A_40 : vector<128xf32> to vector<1x128xf32>
    %add3A_42 = arith.addf %get3A_39, %broadcast_in_dim3A_41 : vector<1x128xf32>
    %swap3A_43 = arith.constant 0 : index
    %swap3A_44 = arith.constant 0 : index
    %swap3A_45 = vector.load %arg8[%swap3A_43, %swap3A_44] : memref<8x128xf32, #tpu.memory_space<vmem>>, vector<1x128xf32>
    tpu.vector_store %arg8[%swap3A_43, %swap3A_44], %add3A_42 {strides = array<i32>} : memref<8x128xf32, #tpu.memory_space<vmem>>, vector<1x128xf32>,
    %get3A_46 = arith.constant 1 : index
    %get3A_47 = arith.constant 0 : index
    %get3A_48 = vector.load %arg8[%get3A_46, %get3A_47] : memref<8x128xf32, #tpu.memory_space<vmem>>, vector<1x128xf32>
    %mul3A = arith.mulf %add3A_31, %add3A_31 : vector<2048x128xf32>
    %reduce_sum3A_49 = arith.constant dense<0.000000e+00> : vector<128xf32>
    %reduce_sum3A_50 = vector.multi_reduction <add>, %mul3A, %reduce_sum3A_49 [0] : vector<2048x128xf32> to vector<128xf32>
    %broadcast_in_dim3A_51 = vector.shape_cast %reduce_sum3A_50 : vector<128xf32> to vector<1x128xf32>
    %add3A_52 = arith.addf %get3A_48, %broadcast_in_dim3A_51 : vector<1x128xf32>
    %swap3A_53 = arith.constant 1 : index
    %swap3A_54 = arith.constant 0 : index
    %swap3A_55 = vector.load %arg8[%swap3A_53, %swap3A_54] : memref<8x128xf32, #tpu.memory_space<vmem>>, vector<1x128xf32>
    tpu.vector_store %arg8[%swap3A_53, %swap3A_54], %add3A_52 {strides = array<i32>} : memref<8x128xf32, #tpu.memory_space<vmem>>, vector<1x128xf32>,
    return
  }
  func.func @transform_0(%arg0: i32) -> (i32, i32) {
    %c0_i32 = arith.constant 0 : i32
    %c0_i32_0 = arith.constant 0 : i32
    return %arg0, %c0_i32 : i32, i32
  }
  func.func @transform_1(%arg0: i32) -> (i32, i32) {
    %c0_i32 = arith.constant 0 : i32
    %c0_i32_0 = arith.constant 0 : i32
    return %arg0, %c0_i32 : i32, i32
  }
  func.func @transform_2(%arg0: i32) -> (i32, i32) {
    %c0_i32 = arith.constant 0 : i32
    %c0_i32_0 = arith.constant 0 : i32
    %c0_i32_1 = arith.constant 0 : i32
    return %c0_i32, %c0_i32_0 : i32, i32
  }
  func.func @transform_3(%arg0: i32) -> (i32, i32) {
    %c0_i32 = arith.constant 0 : i32
    %c0_i32_0 = arith.constant 0 : i32
    %c0_i32_1 = arith.constant 0 : i32
    return %c0_i32, %c0_i32_0 : i32, i32
  }
  func.func @transform_4(%arg0: i32) -> (i32, i32) {
    %c0_i32 = arith.constant 0 : i32
    %c0_i32_0 = arith.constant 0 : i32
    %c0_i32_1 = arith.constant 0 : i32
    return %c0_i32, %c0_i32_0 : i32, i32
  }
  func.func @transform_5(%arg0: i32) -> (i32, i32) {
    %c0_i32 = arith.constant 0 : i32
    %c0_i32_0 = arith.constant 0 : i32
    return %arg0, %c0_i32 : i32, i32
  }
  func.func @transform_6(%arg0: i32) -> (i32, i32, i32, i32) {
    %jit3A = arith.constant 8 : i32
    %div3A = arith.divsi %arg0, %jit3A : i32
    %sign3A = arith.constant 0 : i32
    %sign3A_0 = arith.cmpi sgt, %arg0, %sign3A : i32
    %sign3A_1 = arith.extui %sign3A_0 : i1 to i32
    %sign3A_2 = arith.constant 0 : i32
    %sign3A_3 = arith.cmpi slt, %arg0, %sign3A_2 : i32
    %sign3A_4 = arith.extui %sign3A_3 : i1 to i32
    %sign3A_5 = arith.subi %sign3A_1, %sign3A_4 : i32
    %sign3A_6 = arith.constant 0 : i32
    %sign3A_7 = arith.cmpi sgt, %jit3A, %sign3A_6 : i32
    %sign3A_8 = arith.extui %sign3A_7 : i1 to i32
    %sign3A_9 = arith.constant 0 : i32
    %sign3A_10 = arith.cmpi slt, %jit3A, %sign3A_9 : i32
    %sign3A_11 = arith.extui %sign3A_10 : i1 to i32
    %sign3A_12 = arith.subi %sign3A_8, %sign3A_11 : i32
    %ne3A = arith.cmpi ne, %sign3A_5, %sign3A_12 : i32
    %rem3A = arith.remsi %arg0, %jit3A : i32
    %ne3A_13 = arith.constant 0 : i32
    %ne3A_14 = arith.cmpi ne, %rem3A, %ne3A_13 : i32
    %and3A = arith.andi %ne3A, %ne3A_14 : i1
    %sub3A = arith.constant 1 : i32
    %sub3A_15 = arith.subi %div3A, %sub3A : i32
    %select_n3A = arith.select %and3A, %sub3A_15, %div3A : i32
    %jit3A_16 = arith.constant 8 : i32
    %eq3A = arith.constant 0 : i32
    %eq3A_17 = arith.cmpi eq, %jit3A_16, %eq3A : i32
    %jit3A_18 = arith.constant 1 : i32
    %select_n3A_19 = arith.select %eq3A_17, %jit3A_18, %jit3A_16 : i32
    %rem3A_20 = arith.remsi %arg0, %select_n3A_19 : i32
    %ne3A_21 = arith.constant 0 : i32
    %ne3A_22 = arith.cmpi ne, %rem3A_20, %ne3A_21 : i32
    %lt3A = arith.constant 0 : i32
    %lt3A_23 = arith.cmpi slt, %rem3A_20, %lt3A : i32
    %lt3A_24 = arith.constant 0 : i32
    %lt3A_25 = arith.cmpi slt, %select_n3A_19, %lt3A_24 : i32
    %ne3A_26 = arith.xori %lt3A_23, %lt3A_25 : i1
    %and3A_27 = arith.andi %ne3A_26, %ne3A_22 : i1
    %add3A = arith.addi %rem3A_20, %select_n3A_19 : i32
    %select_n3A_28 = arith.select %and3A_27, %add3A, %rem3A_20 : i32
    %c0_i32 = arith.constant 0 : i32
    %c0_i32_29 = arith.constant 0 : i32
    %c0_i32_30 = arith.constant 0 : i32
    return %select_n3A, %c0_i32, %select_n3A_28, %c0_i32_29 : i32, i32, i32, i32
  }
  func.func @transform_7(%arg0: i32) -> (i32, i32) {
    %c0_i32 = arith.constant 0 : i32
    %c0_i32_0 = arith.constant 0 : i32
    %c0_i32_1 = arith.constant 0 : i32
    return %c0_i32, %c0_i32_0 : i32, i32
  }
}

module attributes {stable_mosaic.version = 14 : i64} {
  func.func @_passB_body(%arg0: i32, %arg1: memref<2048x128xf32, #tpu.memory_space<vmem>>, %arg2: memref<8x128xf32, #tpu.memory_space<vmem>>, %arg3: memref<1x128xf32, #tpu.memory_space<vmem>>, %arg4: memref<1x128xf32, #tpu.memory_space<vmem>>, %arg5: memref<128x256xf32, #tpu.memory_space<vmem>>, %arg6: memref<1x256xf32, #tpu.memory_space<vmem>>, %arg7: memref<2048x256xf32, #tpu.memory_space<vmem>>, %arg8: memref<8x256xf32, #tpu.memory_space<vmem>>) attributes {dimension_semantics = [#tpu.dimension_semantics<arbitrary>], iteration_bounds = array<i64: 32>, scalar_prefetch = 0 : i64, scratch_operands = 0 : i64, tpu.core_type = #tpu.core_type<tc>, window_params = [{transform_indices = @transform_0, window_bounds = array<i64: 2048, 128>}, {pipeline_mode = #tpu.pipeline_mode<synchronous>, transform_indices = @transform_1, window_bounds = array<i64: 8, 128>}, {pipeline_mode = #tpu.pipeline_mode<synchronous>, transform_indices = @transform_2, window_bounds = array<i64: 1, 128>}, {pipeline_mode = #tpu.pipeline_mode<synchronous>, transform_indices = @transform_3, window_bounds = array<i64: 1, 128>}, {pipeline_mode = #tpu.pipeline_mode<synchronous>, transform_indices = @transform_4, window_bounds = array<i64: 128, 256>}, {pipeline_mode = #tpu.pipeline_mode<synchronous>, transform_indices = @transform_5, window_bounds = array<i64: 1, 256>}, {transform_indices = @transform_6, window_bounds = array<i64: 2048, 256>}, {pipeline_mode = #tpu.pipeline_mode<synchronous>, transform_indices = @transform_7, window_bounds = array<i64: 8, 256>}]} {
    %get3A = arith.constant 0 : index
    %get3A_0 = arith.constant 0 : index
    %get3A_1 = vector.load %arg2[%get3A, %get3A_0] : memref<8x128xf32, #tpu.memory_space<vmem>>, vector<1x128xf32>
    %mul3A = arith.constant 1.52587891E-5 : f32
    %mul3A_2 = vector.broadcast %mul3A : f32 to vector<1x128xf32>
    %mul3A_3 = arith.mulf %get3A_1, %mul3A_2 : vector<1x128xf32>
    %get3A_4 = arith.constant 1 : index
    %get3A_5 = arith.constant 0 : index
    %get3A_6 = vector.load %arg2[%get3A_4, %get3A_5] : memref<8x128xf32, #tpu.memory_space<vmem>>, vector<1x128xf32>
    %mul3A_7 = arith.constant 1.52587891E-5 : f32
    %mul3A_8 = vector.broadcast %mul3A_7 : f32 to vector<1x128xf32>
    %mul3A_9 = arith.mulf %get3A_6, %mul3A_8 : vector<1x128xf32>
    %mul3A_10 = arith.mulf %mul3A_3, %mul3A_3 : vector<1x128xf32>
    %sub3A = arith.subf %mul3A_9, %mul3A_10 : vector<1x128xf32>
    %get3A_11 = arith.constant 0 : index
    %get3A_12 = arith.constant 0 : index
    %get3A_13 = vector.load %arg3[%get3A_11, %get3A_12] : memref<1x128xf32, #tpu.memory_space<vmem>>, vector<1x128xf32>
    %add3A = arith.constant 9.99999974E-6 : f32
    %add3A_14 = vector.broadcast %add3A : f32 to vector<1x128xf32>
    %add3A_15 = arith.addf %sub3A, %add3A_14 : vector<1x128xf32>
    %rsqrt3A = math.rsqrt %add3A_15 : vector<1x128xf32>
    %mul3A_16 = arith.mulf %get3A_13, %rsqrt3A : vector<1x128xf32>
    %get3A_17 = arith.constant 0 : index
    %get3A_18 = arith.constant 0 : index
    %get3A_19 = vector.load %arg4[%get3A_17, %get3A_18] : memref<1x128xf32, #tpu.memory_space<vmem>>, vector<1x128xf32>
    %mul3A_20 = arith.mulf %mul3A_3, %mul3A_16 : vector<1x128xf32>
    %sub3A_21 = arith.subf %get3A_19, %mul3A_20 : vector<1x128xf32>
    %get3A_22 = arith.constant 0 : index
    %get3A_23 = arith.constant 0 : index
    %get3A_24 = vector.load %arg1[%get3A_22, %get3A_23] : memref<2048x128xf32, #tpu.memory_space<vmem>>, vector<2048x128xf32>
    %mul3A_25 = vector.broadcast %mul3A_16 : vector<1x128xf32> to vector<2048x128xf32>
    %mul3A_26 = arith.mulf %get3A_24, %mul3A_25 : vector<2048x128xf32>
    %add3A_27 = vector.broadcast %sub3A_21 : vector<1x128xf32> to vector<2048x128xf32>
    %add3A_28 = arith.addf %mul3A_26, %add3A_27 : vector<2048x128xf32>
    %max3A = arith.constant 0.000000e+00 : f32
    %max3A_29 = vector.broadcast %max3A : f32 to vector<2048x128xf32>
    %max3A_30 = arith.maximumf %add3A_28, %max3A_29 : vector<2048x128xf32>
    %get3A_31 = arith.constant 0 : index
    %get3A_32 = arith.constant 0 : index
    %get3A_33 = vector.load %arg5[%get3A_31, %get3A_32] : memref<128x256xf32, #tpu.memory_space<vmem>>, vector<128x256xf32>
    %dot_general3A = arith.constant dense<0.000000e+00> : vector<2048x256xf32>
    %dot_general3A_34 = tpu.matmul %max3A_30, %get3A_33, %dot_general3A {dimension_numbers = #tpu.dot_dimension_numbers<[1], [0], [0], [1], [0, 0, 1, 1], [], []>, transpose_lhs_hint = false} : vector<2048x128xf32>, vector<128x256xf32>, vector<2048x256xf32> -> vector<2048x256xf32>
    %get3A_35 = arith.constant 0 : index
    %get3A_36 = arith.constant 0 : index
    %get3A_37 = vector.load %arg6[%get3A_35, %get3A_36] : memref<1x256xf32, #tpu.memory_space<vmem>>, vector<1x256xf32>
    %add3A_38 = vector.broadcast %get3A_37 : vector<1x256xf32> to vector<2048x256xf32>
    %add3A_39 = arith.addf %dot_general3A_34, %add3A_38 : vector<2048x256xf32>
    %swap3A = arith.constant 0 : index
    %swap3A_40 = arith.constant 0 : index
    %swap3A_41 = vector.load %arg7[%swap3A, %swap3A_40] : memref<2048x256xf32, #tpu.memory_space<vmem>>, vector<2048x256xf32>
    tpu.vector_store %arg7[%swap3A, %swap3A_40], %add3A_39 {strides = array<i32>} : memref<2048x256xf32, #tpu.memory_space<vmem>>, vector<2048x256xf32>,
    %eq3A = arith.constant 0 : i32
    %eq3A_42 = arith.cmpi eq, %arg0, %eq3A : i32
    %convert_element_type3A = arith.extui %eq3A_42 : i1 to i32
    %cond3A = arith.constant 0 : i32
    %cond3A_43 = arith.cmpi ne, %convert_element_type3A, %cond3A : i32
    scf.if %cond3A_43 {
      %broadcast_in_dim3A_63 = arith.constant 0.000000e+00 : f32
      %broadcast_in_dim3A_64 = vector.broadcast %broadcast_in_dim3A_63 : f32 to vector<8x256xf32>
      %swap3A_65 = arith.constant 0 : index
      %swap3A_66 = arith.constant 0 : index
      %swap3A_67 = vector.load %arg8[%swap3A_65, %swap3A_66] : memref<8x256xf32, #tpu.memory_space<vmem>>, vector<8x256xf32>
      tpu.vector_store %arg8[%swap3A_65, %swap3A_66], %broadcast_in_dim3A_64 {strides = array<i32>} : memref<8x256xf32, #tpu.memory_space<vmem>>, vector<8x256xf32>,
    } else {
    }
    %get3A_44 = arith.constant 0 : index
    %get3A_45 = arith.constant 0 : index
    %get3A_46 = vector.load %arg8[%get3A_44, %get3A_45] : memref<8x256xf32, #tpu.memory_space<vmem>>, vector<1x256xf32>
    %reduce_sum3A = arith.constant dense<0.000000e+00> : vector<256xf32>
    %reduce_sum3A_47 = vector.multi_reduction <add>, %add3A_39, %reduce_sum3A [0] : vector<2048x256xf32> to vector<256xf32>
    %broadcast_in_dim3A = vector.shape_cast %reduce_sum3A_47 : vector<256xf32> to vector<1x256xf32>
    %add3A_48 = arith.addf %get3A_46, %broadcast_in_dim3A : vector<1x256xf32>
    %swap3A_49 = arith.constant 0 : index
    %swap3A_50 = arith.constant 0 : index
    %swap3A_51 = vector.load %arg8[%swap3A_49, %swap3A_50] : memref<8x256xf32, #tpu.memory_space<vmem>>, vector<1x256xf32>
    tpu.vector_store %arg8[%swap3A_49, %swap3A_50], %add3A_48 {strides = array<i32>} : memref<8x256xf32, #tpu.memory_space<vmem>>, vector<1x256xf32>,
    %get3A_52 = arith.constant 1 : index
    %get3A_53 = arith.constant 0 : index
    %get3A_54 = vector.load %arg8[%get3A_52, %get3A_53] : memref<8x256xf32, #tpu.memory_space<vmem>>, vector<1x256xf32>
    %mul3A_55 = arith.mulf %add3A_39, %add3A_39 : vector<2048x256xf32>
    %reduce_sum3A_56 = arith.constant dense<0.000000e+00> : vector<256xf32>
    %reduce_sum3A_57 = vector.multi_reduction <add>, %mul3A_55, %reduce_sum3A_56 [0] : vector<2048x256xf32> to vector<256xf32>
    %broadcast_in_dim3A_58 = vector.shape_cast %reduce_sum3A_57 : vector<256xf32> to vector<1x256xf32>
    %add3A_59 = arith.addf %get3A_54, %broadcast_in_dim3A_58 : vector<1x256xf32>
    %swap3A_60 = arith.constant 1 : index
    %swap3A_61 = arith.constant 0 : index
    %swap3A_62 = vector.load %arg8[%swap3A_60, %swap3A_61] : memref<8x256xf32, #tpu.memory_space<vmem>>, vector<1x256xf32>
    tpu.vector_store %arg8[%swap3A_60, %swap3A_61], %add3A_59 {strides = array<i32>} : memref<8x256xf32, #tpu.memory_space<vmem>>, vector<1x256xf32>,
    return
  }
  func.func @transform_0(%arg0: i32) -> (i32, i32) {
    %c0_i32 = arith.constant 0 : i32
    %c0_i32_0 = arith.constant 0 : i32
    return %arg0, %c0_i32 : i32, i32
  }
  func.func @transform_1(%arg0: i32) -> (i32, i32) {
    %c0_i32 = arith.constant 0 : i32
    %c0_i32_0 = arith.constant 0 : i32
    %c0_i32_1 = arith.constant 0 : i32
    return %c0_i32, %c0_i32_0 : i32, i32
  }
  func.func @transform_2(%arg0: i32) -> (i32, i32) {
    %c0_i32 = arith.constant 0 : i32
    %c0_i32_0 = arith.constant 0 : i32
    %c0_i32_1 = arith.constant 0 : i32
    return %c0_i32, %c0_i32_0 : i32, i32
  }
  func.func @transform_3(%arg0: i32) -> (i32, i32) {
    %c0_i32 = arith.constant 0 : i32
    %c0_i32_0 = arith.constant 0 : i32
    %c0_i32_1 = arith.constant 0 : i32
    return %c0_i32, %c0_i32_0 : i32, i32
  }
  func.func @transform_4(%arg0: i32) -> (i32, i32) {
    %c0_i32 = arith.constant 0 : i32
    %c0_i32_0 = arith.constant 0 : i32
    %c0_i32_1 = arith.constant 0 : i32
    return %c0_i32, %c0_i32_0 : i32, i32
  }
  func.func @transform_5(%arg0: i32) -> (i32, i32) {
    %c0_i32 = arith.constant 0 : i32
    %c0_i32_0 = arith.constant 0 : i32
    %c0_i32_1 = arith.constant 0 : i32
    return %c0_i32, %c0_i32_0 : i32, i32
  }
  func.func @transform_6(%arg0: i32) -> (i32, i32) {
    %c0_i32 = arith.constant 0 : i32
    %c0_i32_0 = arith.constant 0 : i32
    return %arg0, %c0_i32 : i32, i32
  }
  func.func @transform_7(%arg0: i32) -> (i32, i32) {
    %c0_i32 = arith.constant 0 : i32
    %c0_i32_0 = arith.constant 0 : i32
    %c0_i32_1 = arith.constant 0 : i32
    return %c0_i32, %c0_i32_0 : i32, i32
  }
}

module attributes {stable_mosaic.version = 14 : i64} {
  func.func @_passC_body(%arg0: i32, %arg1: memref<2048x256xf32, #tpu.memory_space<vmem>>, %arg2: memref<8x256xf32, #tpu.memory_space<vmem>>, %arg3: memref<1x256xf32, #tpu.memory_space<vmem>>, %arg4: memref<1x256xf32, #tpu.memory_space<vmem>>, %arg5: memref<1x256x2048xf32, #tpu.memory_space<vmem>>, %arg6: memref<1x256x128xf32, #tpu.memory_space<vmem>>) attributes {dimension_semantics = [#tpu.dimension_semantics<arbitrary>], iteration_bounds = array<i64: 32>, scalar_prefetch = 0 : i64, scratch_operands = 0 : i64, tpu.core_type = #tpu.core_type<tc>, window_params = [{transform_indices = @transform_0, window_bounds = array<i64: 2048, 256>}, {pipeline_mode = #tpu.pipeline_mode<synchronous>, transform_indices = @transform_1, window_bounds = array<i64: 8, 256>}, {pipeline_mode = #tpu.pipeline_mode<synchronous>, transform_indices = @transform_2, window_bounds = array<i64: 1, 256>}, {pipeline_mode = #tpu.pipeline_mode<synchronous>, transform_indices = @transform_3, window_bounds = array<i64: 1, 256>}, {transform_indices = @transform_4, window_bounds = array<i64: 1, 256, 2048>}, {transform_indices = @transform_5, window_bounds = array<i64: 1, 256, 128>}]} {
    %get3A = arith.constant 0 : index
    %get3A_0 = arith.constant 0 : index
    %get3A_1 = vector.load %arg2[%get3A, %get3A_0] : memref<8x256xf32, #tpu.memory_space<vmem>>, vector<1x256xf32>
    %mul3A = arith.constant 1.52587891E-5 : f32
    %mul3A_2 = vector.broadcast %mul3A : f32 to vector<1x256xf32>
    %mul3A_3 = arith.mulf %get3A_1, %mul3A_2 : vector<1x256xf32>
    %get3A_4 = arith.constant 1 : index
    %get3A_5 = arith.constant 0 : index
    %get3A_6 = vector.load %arg2[%get3A_4, %get3A_5] : memref<8x256xf32, #tpu.memory_space<vmem>>, vector<1x256xf32>
    %mul3A_7 = arith.constant 1.52587891E-5 : f32
    %mul3A_8 = vector.broadcast %mul3A_7 : f32 to vector<1x256xf32>
    %mul3A_9 = arith.mulf %get3A_6, %mul3A_8 : vector<1x256xf32>
    %mul3A_10 = arith.mulf %mul3A_3, %mul3A_3 : vector<1x256xf32>
    %sub3A = arith.subf %mul3A_9, %mul3A_10 : vector<1x256xf32>
    %get3A_11 = arith.constant 0 : index
    %get3A_12 = arith.constant 0 : index
    %get3A_13 = vector.load %arg3[%get3A_11, %get3A_12] : memref<1x256xf32, #tpu.memory_space<vmem>>, vector<1x256xf32>
    %add3A = arith.constant 9.99999974E-6 : f32
    %add3A_14 = vector.broadcast %add3A : f32 to vector<1x256xf32>
    %add3A_15 = arith.addf %sub3A, %add3A_14 : vector<1x256xf32>
    %rsqrt3A = math.rsqrt %add3A_15 : vector<1x256xf32>
    %mul3A_16 = arith.mulf %get3A_13, %rsqrt3A : vector<1x256xf32>
    %get3A_17 = arith.constant 0 : index
    %get3A_18 = arith.constant 0 : index
    %get3A_19 = vector.load %arg4[%get3A_17, %get3A_18] : memref<1x256xf32, #tpu.memory_space<vmem>>, vector<1x256xf32>
    %mul3A_20 = arith.mulf %mul3A_3, %mul3A_16 : vector<1x256xf32>
    %sub3A_21 = arith.subf %get3A_19, %mul3A_20 : vector<1x256xf32>
    %get3A_22 = arith.constant 0 : index
    %get3A_23 = arith.constant 0 : index
    %get3A_24 = vector.load %arg1[%get3A_22, %get3A_23] : memref<2048x256xf32, #tpu.memory_space<vmem>>, vector<2048x256xf32>
    %mul3A_25 = vector.broadcast %mul3A_16 : vector<1x256xf32> to vector<2048x256xf32>
    %mul3A_26 = arith.mulf %get3A_24, %mul3A_25 : vector<2048x256xf32>
    %add3A_27 = vector.broadcast %sub3A_21 : vector<1x256xf32> to vector<2048x256xf32>
    %add3A_28 = arith.addf %mul3A_26, %add3A_27 : vector<2048x256xf32>
    %max3A = arith.constant 0.000000e+00 : f32
    %max3A_29 = vector.broadcast %max3A : f32 to vector<2048x256xf32>
    %max3A_30 = arith.maximumf %add3A_28, %max3A_29 : vector<2048x256xf32>
    %transpose3A = tpu.transpose %max3A_30, [1, 0] : vector<2048x256xf32> -> vector<256x2048xf32>
    %swap3A = arith.constant 0 : index
    %swap3A_31 = arith.constant 0 : index
    %swap3A_32 = arith.constant 0 : index
    %swap3A_33 = vector.load %arg5[%swap3A, %swap3A_31, %swap3A_32] : memref<1x256x2048xf32, #tpu.memory_space<vmem>>, vector<1x256x2048xf32>
    %swap3A_34 = vector.shape_cast %swap3A_33 : vector<1x256x2048xf32> to vector<256x2048xf32>
    %swap3A_35 = vector.shape_cast %transpose3A : vector<256x2048xf32> to vector<1x256x2048xf32>
    tpu.vector_store %arg5[%swap3A, %swap3A_31, %swap3A_32], %swap3A_35 {strides = array<i32>} : memref<1x256x2048xf32, #tpu.memory_space<vmem>>, vector<1x256x2048xf32>,
    %reshape3A = vector.shape_cast %max3A_30 : vector<2048x256xf32> to vector<128x16x256xf32>
    %reduce_max3A = arith.constant dense<0xFF800000> : vector<128x256xf32>
    %reduce_max3A_36 = vector.multi_reduction <maximumf>, %reshape3A, %reduce_max3A [1] : vector<128x16x256xf32> to vector<128x256xf32>
    %transpose3A_37 = tpu.transpose %reduce_max3A_36, [1, 0] : vector<128x256xf32> -> vector<256x128xf32>
    %swap3A_38 = arith.constant 0 : index
    %swap3A_39 = arith.constant 0 : index
    %swap3A_40 = arith.constant 0 : index
    %swap3A_41 = vector.load %arg6[%swap3A_38, %swap3A_39, %swap3A_40] : memref<1x256x128xf32, #tpu.memory_space<vmem>>, vector<1x256x128xf32>
    %swap3A_42 = vector.shape_cast %swap3A_41 : vector<1x256x128xf32> to vector<256x128xf32>
    %swap3A_43 = vector.shape_cast %transpose3A_37 : vector<256x128xf32> to vector<1x256x128xf32>
    tpu.vector_store %arg6[%swap3A_38, %swap3A_39, %swap3A_40], %swap3A_43 {strides = array<i32>} : memref<1x256x128xf32, #tpu.memory_space<vmem>>, vector<1x256x128xf32>,
    return
  }
  func.func @transform_0(%arg0: i32) -> (i32, i32) {
    %c0_i32 = arith.constant 0 : i32
    %c0_i32_0 = arith.constant 0 : i32
    return %arg0, %c0_i32 : i32, i32
  }
  func.func @transform_1(%arg0: i32) -> (i32, i32) {
    %c0_i32 = arith.constant 0 : i32
    %c0_i32_0 = arith.constant 0 : i32
    %c0_i32_1 = arith.constant 0 : i32
    return %c0_i32, %c0_i32_0 : i32, i32
  }
  func.func @transform_2(%arg0: i32) -> (i32, i32) {
    %c0_i32 = arith.constant 0 : i32
    %c0_i32_0 = arith.constant 0 : i32
    %c0_i32_1 = arith.constant 0 : i32
    return %c0_i32, %c0_i32_0 : i32, i32
  }
  func.func @transform_3(%arg0: i32) -> (i32, i32) {
    %c0_i32 = arith.constant 0 : i32
    %c0_i32_0 = arith.constant 0 : i32
    %c0_i32_1 = arith.constant 0 : i32
    return %c0_i32, %c0_i32_0 : i32, i32
  }
  func.func @transform_4(%arg0: i32) -> (i32, i32, i32) {
    %jit3A = arith.constant 8 : i32
    %div3A = arith.divsi %arg0, %jit3A : i32
    %sign3A = arith.constant 0 : i32
    %sign3A_0 = arith.cmpi sgt, %arg0, %sign3A : i32
    %sign3A_1 = arith.extui %sign3A_0 : i1 to i32
    %sign3A_2 = arith.constant 0 : i32
    %sign3A_3 = arith.cmpi slt, %arg0, %sign3A_2 : i32
    %sign3A_4 = arith.extui %sign3A_3 : i1 to i32
    %sign3A_5 = arith.subi %sign3A_1, %sign3A_4 : i32
    %sign3A_6 = arith.constant 0 : i32
    %sign3A_7 = arith.cmpi sgt, %jit3A, %sign3A_6 : i32
    %sign3A_8 = arith.extui %sign3A_7 : i1 to i32
    %sign3A_9 = arith.constant 0 : i32
    %sign3A_10 = arith.cmpi slt, %jit3A, %sign3A_9 : i32
    %sign3A_11 = arith.extui %sign3A_10 : i1 to i32
    %sign3A_12 = arith.subi %sign3A_8, %sign3A_11 : i32
    %ne3A = arith.cmpi ne, %sign3A_5, %sign3A_12 : i32
    %rem3A = arith.remsi %arg0, %jit3A : i32
    %ne3A_13 = arith.constant 0 : i32
    %ne3A_14 = arith.cmpi ne, %rem3A, %ne3A_13 : i32
    %and3A = arith.andi %ne3A, %ne3A_14 : i1
    %sub3A = arith.constant 1 : i32
    %sub3A_15 = arith.subi %div3A, %sub3A : i32
    %select_n3A = arith.select %and3A, %sub3A_15, %div3A : i32
    %jit3A_16 = arith.constant 8 : i32
    %eq3A = arith.constant 0 : i32
    %eq3A_17 = arith.cmpi eq, %jit3A_16, %eq3A : i32
    %jit3A_18 = arith.constant 1 : i32
    %select_n3A_19 = arith.select %eq3A_17, %jit3A_18, %jit3A_16 : i32
    %rem3A_20 = arith.remsi %arg0, %select_n3A_19 : i32
    %ne3A_21 = arith.constant 0 : i32
    %ne3A_22 = arith.cmpi ne, %rem3A_20, %ne3A_21 : i32
    %lt3A = arith.constant 0 : i32
    %lt3A_23 = arith.cmpi slt, %rem3A_20, %lt3A : i32
    %lt3A_24 = arith.constant 0 : i32
    %lt3A_25 = arith.cmpi slt, %select_n3A_19, %lt3A_24 : i32
    %ne3A_26 = arith.xori %lt3A_23, %lt3A_25 : i1
    %and3A_27 = arith.andi %ne3A_26, %ne3A_22 : i1
    %add3A = arith.addi %rem3A_20, %select_n3A_19 : i32
    %select_n3A_28 = arith.select %and3A_27, %add3A, %rem3A_20 : i32
    %c0_i32 = arith.constant 0 : i32
    %c0_i32_29 = arith.constant 0 : i32
    return %select_n3A, %c0_i32, %select_n3A_28 : i32, i32, i32
  }
  func.func @transform_5(%arg0: i32) -> (i32, i32, i32) {
    %jit3A = arith.constant 8 : i32
    %div3A = arith.divsi %arg0, %jit3A : i32
    %sign3A = arith.constant 0 : i32
    %sign3A_0 = arith.cmpi sgt, %arg0, %sign3A : i32
    %sign3A_1 = arith.extui %sign3A_0 : i1 to i32
    %sign3A_2 = arith.constant 0 : i32
    %sign3A_3 = arith.cmpi slt, %arg0, %sign3A_2 : i32
    %sign3A_4 = arith.extui %sign3A_3 : i1 to i32
    %sign3A_5 = arith.subi %sign3A_1, %sign3A_4 : i32
    %sign3A_6 = arith.constant 0 : i32
    %sign3A_7 = arith.cmpi sgt, %jit3A, %sign3A_6 : i32
    %sign3A_8 = arith.extui %sign3A_7 : i1 to i32
    %sign3A_9 = arith.constant 0 : i32
    %sign3A_10 = arith.cmpi slt, %jit3A, %sign3A_9 : i32
    %sign3A_11 = arith.extui %sign3A_10 : i1 to i32
    %sign3A_12 = arith.subi %sign3A_8, %sign3A_11 : i32
    %ne3A = arith.cmpi ne, %sign3A_5, %sign3A_12 : i32
    %rem3A = arith.remsi %arg0, %jit3A : i32
    %ne3A_13 = arith.constant 0 : i32
    %ne3A_14 = arith.cmpi ne, %rem3A, %ne3A_13 : i32
    %and3A = arith.andi %ne3A, %ne3A_14 : i1
    %sub3A = arith.constant 1 : i32
    %sub3A_15 = arith.subi %div3A, %sub3A : i32
    %select_n3A = arith.select %and3A, %sub3A_15, %div3A : i32
    %jit3A_16 = arith.constant 8 : i32
    %eq3A = arith.constant 0 : i32
    %eq3A_17 = arith.cmpi eq, %jit3A_16, %eq3A : i32
    %jit3A_18 = arith.constant 1 : i32
    %select_n3A_19 = arith.select %eq3A_17, %jit3A_18, %jit3A_16 : i32
    %rem3A_20 = arith.remsi %arg0, %select_n3A_19 : i32
    %ne3A_21 = arith.constant 0 : i32
    %ne3A_22 = arith.cmpi ne, %rem3A_20, %ne3A_21 : i32
    %lt3A = arith.constant 0 : i32
    %lt3A_23 = arith.cmpi slt, %rem3A_20, %lt3A : i32
    %lt3A_24 = arith.constant 0 : i32
    %lt3A_25 = arith.cmpi slt, %select_n3A_19, %lt3A_24 : i32
    %ne3A_26 = arith.xori %lt3A_23, %lt3A_25 : i1
    %and3A_27 = arith.andi %ne3A_26, %ne3A_22 : i1
    %add3A = arith.addi %rem3A_20, %select_n3A_19 : i32
    %select_n3A_28 = arith.select %and3A_27, %add3A, %rem3A_20 : i32
    %c0_i32 = arith.constant 0 : i32
    %c0_i32_29 = arith.constant 0 : i32
    return %select_n3A, %c0_i32, %select_n3A_28 : i32, i32, i32
  }
}

</mosaic_0001>

<sc_bundles>
// kernel: kernel.9.cloned.1.call-start
scs
__scs_entry_jumppad:
0x0: {  	(pc) =	sbr.rel $0x88, $3  }
0x1: {  	(tag) =	ssettag $0x0;
	lr =	simm.s32 $0x1  }
0x2: {  	[smem:$0x3F97] =	sst lr;
	_ =	strace $0xD0000000  }
0x3: {  	_ = 	snop  }
0x4: {  	_ = 	snop  }
0x5: {  	_ = 	snop  }
0x6: {  	_ = 	snop  }
0x7: {  	_ = 	snop  }
__scs_overlays_trampoline_lowered:
0x8: {  	[smem:$0x3FA6] =	sst s0  }
0x9: {  	[smem:$0x3FA7] =	sst s1  }
0xa: {  	[smem:$0x3FA8] =	sst s2  }
0xb: {  	[smem:$0x3FA9] =	sst s3  }
0xc: {  	[smem:$0x3FAA] =	sst s4  }
0xd: {  	[smem:$0x3FAB] =	sst s5  }
0xe: {  	[smem:$0x3FAC] =	sst s6  }
0xf: {  	[smem:$0x3FAD] =	sst s7  }
0x10: {  	[smem:$0x3FAE] =	sst s8  }
0x11: {  	[smem:$0x3FAF] =	sst s9;
	s0 =	simm.s32 @!p0 $0x0  }
0x12: {  	s1 =	sld [smem:$0x3F95];
	s0 =	simm.s32 @p0 $0x1  }
0x13: {  	[smem:$0x3FB0] =	sst s0;
	s0 =	simm.s32 @!p1 $0x0  }
0x14: {  	s2 =	sld [smem:$0x3F94];
	s0 =	simm.s32 @p1 $0x1  }
0x15: {  	[smem:$0x3FB1] =	sst s0;
	s0 =	simm.s32 @!p2 $0x0  }
0x16: {  	s3 =	sld [smem:$0x3FDB];
	s0 =	simm.s32 @p2 $0x1  }
0x17: {  	s4 =	simm.s32 $0x1BF5;
	[smem:$0x3FB3] =	sst s0  }
0x18: {  	s0 =	sld [smem:$0x3F96];
	_ =	swait.ge [sflag:s4], $0x0  }
0x19: {  	s7 =	sld [smem:$0x3F97]  }
0x1a: {  	s8 =	sadd.s32 $0xFFFFE003, lr  }
0x1b: {  	s9 =	sadd.s32 $0xFFFFFEF7, lr;
	s5 =	simm.s32 $0xFFFFFFFF;
	p2 =	slt.u32 s8, $0xFFFFF086  }
0x1c: {  	p1 =	slt.u32 s9, $0xF7A;
	s5 =	simm.s32 @!p2 $0x0  }
0x1d: {  	s5 =	simm.s32 @p1 $0x1;
	p0 =	seq.s32 s7, s2  }
0x1e: {  	s7 =	smul.u32 @!p0 $0xF7A, s2;
	p2 =	seq.s32 @!p0 s5, $0x0  }
0x1f: {  	s9 =	smul.u32 $0xF7A, s1;
	s8 =	simm.s32 @!p0 $0x1BF5;
	p2 =	por !p2, p0  }
0x20: {  	[sflag:s8] =	ssyncset.s32 @!p0 $0xFFFFF086;
	s6 =	sadd.s32 @!p0 s3, s7;
	s7 =	simm.s32 @!p0 $0x108  }
0x21: {  	s3 =	sadd.s32 s3, s9;
	s6 =	sadd.s32 @!p0 $0x88, s6;
	s7 =	simm.s32 @p2 $0x1082  }
0x22: {  	[simem:s7], [sflag:s8] =	dma.local @!p0 [hbm:s6], $0xF7A  }
0x23: {  	s9 =	sor.u32 $0xD0000000, s2;
	s6 =	simm.s32 $0x108;
	_ =	swait.ge @!p0 [sflag:s8], $0x0  }
0x24: {  	s3 =	sadd.s32 $0x88, s3;
	s6 =	simm.s32 @!p1 $0x1082;
	[sflag:s4] =	ssyncset.s32 $0xFFFFF086  }
0x25: {  	[simem:s6], [sflag:s4] =	dma.local [hbm:s3], $0xF7A  }
0x26: {  	[smem:$0x3F97] =	sst s1;
	(tag) =	ssettag s2;
	_ =	strace s9  }
0x27: {  	s1 =	sld [smem:$0x3FA7]  }
0x28: {  	s2 =	sld [smem:$0x3FA8]  }
0x29: {  	s4 =	sld [smem:$0x3FAA]  }
0x2a: {  	p0 =	seq.s32 s5, $0x0;
	s5 =	sld [smem:$0x3FAB]  }
0x2b: {  	s6 =	sld [smem:$0x3FAC]  }
0x2c: {  	s7 =	sld [smem:$0x3FAD]  }
0x2d: {  	s3 =	simm.s32 $0x108;
	s8 =	sld [smem:$0x3FAE]  }
0x2e: {  	s3 =	simm.s32 @!p0 $0x1082;
	s9 =	sld [smem:$0x3FAF]  }
0x2f: {  	lr =	sadd.s32 s0, s3;
	s0 =	sld [smem:$0x3FA6]  }
0x30: {  	s3 =	sld [smem:$0x3FA9]  }
0x31: {  	[smem:$0x3FB2] =	sst s10  }
0x32: {  	s10 =	sld [smem:$0x3FB0];
	_ =	sdelay $0x3  }
0x33: {  	p0 =	seq.s32 s10, $0x1;
	s10 =	sld [smem:$0x3FB2];
	_ =	sdelay $0x3  }
0x34: {  	[smem:$0x3FB2] =	sst s10  }
0x35: {  	s10 =	sld [smem:$0x3FB1];
	_ =	sdelay $0x3  }
0x36: {  	p1 =	seq.s32 s10, $0x1;
	s10 =	sld [smem:$0x3FB2];
	_ =	sdelay $0x3  }
0x37: {  	[smem:$0x3FB2] =	sst s10  }
0x38: {  	s10 =	sld [smem:$0x3FB3]  }
0x39: {  	_ = 	snop;
	(pc) =	sbr.ind lr, $3  }
0x3a: {  	_ = 	snop  }
0x3b: {  	_ = 	snop  }
0x3c: {  	p2 =	seq.s32 s10, $0x1;
	s10 =	sld [smem:$0x3FB2]  }
0x3d: {  	_ =	shalt  }
0x3e: {  	_ =	shalt  }
0x3f: {  	_ =	shalt  }
0x40: {  	_ =	shalt  }
0x41: {  	_ =	shalt  }
0x42: {  	_ =	shalt  }
0x43: {  	_ =	shalt  }
0x44: {  	_ =	shalt  }
0x45: {  	_ =	shalt  }
0x46: {  	_ =	shalt  }
0x47: {  	_ =	shalt  }
0x48: {  	_ =	shalt  }
0x49: {  	_ =	shalt  }
0x4a: {  	_ =	shalt  }
0x4b: {  	_ =	shalt  }
0x4c: {  	_ =	shalt  }
0x4d: {  	_ =	shalt  }
0x4e: {  	_ =	shalt  }
0x4f: {  	_ =	shalt  }
0x50: {  	_ =	shalt  }
0x51: {  	_ =	shalt  }
0x52: {  	_ =	shalt  }
0x53: {  	_ =	shalt  }
0x54: {  	_ =	shalt  }
0x55: {  	_ =	shalt  }
0x56: {  	_ =	shalt  }
0x57: {  	_ =	shalt  }
0x58: {  	_ =	shalt  }
0x59: {  	_ =	shalt  }
0x5a: {  	_ =	shalt  }
0x5b: {  	_ =	shalt  }
0x5c: {  	_ =	shalt  }
0x5d: {  	_ =	shalt  }
0x5e: {  	_ =	shalt  }
0x5f: {  	_ =	shalt  }
0x60: {  	_ =	shalt  }
0x61: {  	_ =	shalt  }
0x62: {  	_ =	shalt  }
0x63: {  	_ =	shalt  }
0x64: {  	_ =	shalt  }
0x65: {  	_ =	shalt  }
0x66: {  	_ =	shalt  }
0x67: {  	_ =	shalt  }
0x68: {  	_ =	shalt  }
0x69: {  	_ =	shalt  }
0x6a: {  	_ =	shalt  }
0x6b: {  	_ =	shalt  }
0x6c: {  	_ =	shalt  }
0x6d: {  	_ =	shalt  }
0x6e: {  	_ =	shalt  }
0x6f: {  	_ =	shalt  }
0x70: {  	_ =	shalt  }
0x71: {  	_ =	shalt  }
0x72: {  	_ =	shalt  }
0x73: {  	_ =	shalt  }
0x74: {  	_ =	shalt  }
0x75: {  	_ =	shalt  }
0x76: {  	_ =	shalt  }
0x77: {  	_ =	shalt  }
0x78: {  	_ =	shalt  }
0x79: {  	_ =	shalt  }
0x7a: {  	_ =	shalt  }
0x7b: {  	_ =	shalt  }
0x7c: {  	_ =	shalt  }
0x7d: {  	_ =	shalt  }
0x7e: {  	_ =	shalt  }
0x7f: {  	_ =	shalt  }
0x80: {  	_ =	shalt  }
0x81: {  	_ =	shalt  }
0x82: {  	_ =	shalt  }
0x83: {  	_ =	shalt  }
0x84: {  	_ =	shalt  }
0x85: {  	_ =	shalt  }
0x86: {  	_ =	shalt  }
0x87: {  	_ =	shalt  }
.Lfunc_end0:
.L_simem_size_0:
called_computation.1_lowered:
.L_overlay_start_0:
0x88: {  	s2 =	sld [smem:$0x3FD9]  }
0x89: {  	s3 =	sld [smem:$0x3FFE];
	_ =	sdelay $0x1  }
0x8a: {  	s1 =	srdreg.scid  }
0x8b: {  	s0 =	sand.u32 $0x1, s1  }
0x8c: {  	s14 =	sshll.u32 s0, $0xA;
	s2 =	sadd.s32 s3, s2  }
0x8d: {  	s2 =	sadd.s32 s2, s14  }
0x8e: {  	[smem:$0x3FBE] =	sst s2  }
0x8f: {  	_ = 	snop  }
0x90: {  	s2 =	sld [smem:$0x3FD0];
	_ =	sdelay $0x2  }
0x91: {  	s15 =	simm.s32 $0xA;
	s4 =	simm.s32 $0x10  }
0x92: {  	[smem:s4], [sflag:s15] =	dma.local [hbm:s2], $0x1  }
0x93: {  	_ =	swait.eq [sflag:s15], $0x1  }
0x94: {  	[sflag:s15] =	ssyncset.done $0x0  }
0x95: {  	[sflag:s15] =	ssyncadd.s32 $0xFFFFFFFF  }
0x96: {  	s16 =	sld [smem:$0x12];
	(tm) =	ssettm $0x1  }
0x97: {  	s17 =	sld [smem:$0x3FFB];
	_ =	sdelay $0x3  }
0x98: {  	_ =	strace s17  }
0x99: {  	s3 =	sld [smem:$0x3FFC];
	_ =	sdelay $0x3  }
0x9a: {  	_ =	strace s3  }
0x9b: {  	s3 =	sld [smem:$0x3FFD];
	_ =	sdelay $0x3  }
0x9c: {  	_ =	strace s3  }
0x9d: {  	_ =	strace $0x8FFFFFFF  }
0x9e: {  	s18 =	sld [smem:$0x3FDB];
	_ =	sdelay $0x1  }
0x9f: {  	s19 =	simm.s32 $_scs_section_size  }
0xa0: {  	s5 =	simm.s32 $_size__tile_overlayer_lowered;
	s6 =	simm.s32 $_tile_overlayer_lowered  }
0xa1: {  	s22 =	simm.s32 $0x1BFF;
	s21 =	sshll.u32 s6, $0x1;
	s3 =	sadd.s32 s19, s18  }
0xa2: {  	s7 =	simm.s32 $0x0;
	s20 =	sshll.u32 s5, $0x1;
	s5 =	sadd.s32 s21, s3  }
0xa3: {  	[timem:s7], [sflag:s22] =	dma.local [hbm:s5], s20  }
0xa4: {  	_ =	swait.ge [sflag:s22], s20  }
0xa5: {  	s4 =	ssub.s32 $0x0, s20;
	[sflag:s22] =	ssyncset.done $0x0  }
0xa6: {  	[sflag:s22] =	ssyncadd.s32 s4;
	_ =	sdelay $0x1  }
0xa7: {  	s23 =	simm.s32 $0x1B8B  }
0xa8: {  	_ =	swait.ge [sflag:s23], $0x1  }
0xa9: {  	[sflag:s23] =	ssyncset.done $0x0  }
0xaa: {  	s25 =	simm.s32 $0x1B8E;
	s24 =	sld [smem:$0x3FFE];
	[sflag:s23] =	ssyncadd.s32 $0xFFFFFFFF  }
0xab: {  	s26 =	simm.s32 $execute0_lowered;
	[smem:$0x3FD2] =	sst s25  }
0xac: {  	s5 =	sshll.u32 s26, $0x1;
	_ =	strace $0x80000046;
	[dreg:$0x1] =	wrdreg $0xFFFFFFFF  }
0xad: {  	s28 =	simm.s32 $_size_execute0_lowered;
	s3 =	sadd.s32 s3, s5;
	[dreg:$0x0] =	wrdreg $0x0  }
0xae: {  	s5 =	sshll.u32 s28, $0x1;
	[dreg:$0x2] =	wrdreg s3  }
0xaf: {  	[dreg:$0x3] =	wrdreg s5  }
0xb0: {  	[dreg:$0x4] =	wrdreg $0xC0  }
0xb1: {  	_ =	task [dreg:s7], $0x5FFFF  }
0xb2: {  	[dreg:$0x1] =	wrdreg $0xFFFFFFFF  }
0xb3: {  	[dreg:$0x0] =	wrdreg $0x60  }
0xb4: {  	[dreg:$0x2] =	wrdreg s24  }
0xb5: {  	[dreg:$0x3] =	wrdreg s16  }
0xb6: {  	[dreg:$0x4] =	wrdreg $0x9  }
0xb7: {  	_ =	task.clear_ibuf [dreg:s7], $0x5FFFF;
	_ =	strace $0x90000046  }
0xb8: {  	s29 =	simm.s32 $0x9;
	_ =	strace $0x80000048  }
0xb9: {  	_ =	swait.ge [sflag:s29], $0x1  }
0xba: {  	[sflag:s29] =	ssyncadd.s32 $0xFFFFFFFF  }
0xbb: {  	_ =	strace $0x90000048  }
0xbc: {  	_ =	sfence  }
0xbd: {  	s30 =	sld [smem:$0x0];
	_ =	sdelay $0x2  }
0xbe: {  	s31 =	sshll.u32 s1, $0xD;
	s1 =	sshrl.u32 s1, $0x2  }
0xbf: {  	s3 =	sand.u32 $0x4000, s31;
	s1 =	sadd.s32 s1, s30  }
0xc0: {  	s0 =	sor.u32 s3, s0;
	s1 =	sshll.u32 s1, $0x11  }
0xc1: {  	s0 =	sor.u32 s1, s0  }
0xc2: {  	s0 =	sadd.s32 $0x8F2B, s0  }
0xc3: {  	[sflag:s0] =	ssyncadd.remote.s32 $0x1  }
0xc4: {  	_ =	sfence.sel $0xFFFF  }
0xc5: {  	[dreg:$0x0] =	wrdreg $0xFFFFFFFF;
	(pc) =	sbr.abs _section_cstart, $3  }
0xc6: {  	[dreg:$0x1] =	wrdreg $0xFFFFFFFF  }
0xc7: {  	_ =	task.clear_ibuf [dreg:s7], $0x2FFFF;
	_ =	strace $0x9FFFFFFF  }
0xc8: {  	(tm) =	ssettm $0x7FFFFFFF  }
0xc9: {  	_ =	shalt  }
tec
execute0_lowered:
.L_overlay_start_1:
0x0: {  	(tag) =	ssettag $0x1  }
0x1: {  	s1 =	srdreg.scid;
	s0 =	stileid.u32  }
0x2: {  	s1 =	sand.u32 $0x1, s1;
	s2 =	sshll.u32 s0, $0x1  }
0x3: {  	s5 =	rddreg [dreg:$0x0];
	s4 =	sor.u32 s1, s2  }
0x4: {  	s3 =	rddreg [dreg:$0x1];
	s2 =	simm.s32 $0x0;
	s6 =	smul.u32 $0x9000, s4  }
0x5: {  	[smem:$0x7FF] =	sst s2;
	s7 =	smul.u32 $0x48000, s4;
	s4 =	sshll.u32 s4, $0x8  }
0x6: {  	s8 =	sadd.s32 $0x4B000, s5;
	_ =	strace $0x80000047;
	s4 =	sadd.s32 s3, s4  }
0x7: {  	s3 =	sadd.s32 s8, s6;
	s16 =	sshrl.u32 s7, $0x3;
	[dreg:$0x3] =	wrdreg s4  }
0x8: {  	s17 =	sadd.s32 $0x900, s3;
	s31 =	sadd.s32 s8, s16;
	s25 =	rddreg [dreg:$0x3]  }
0x9: {  	[dreg:$0x4] =	wrdreg s17;
	s18 =	sadd.s32 $0x1200, s31  }
0xa: {  	[tilespmem:s2], [sflag:$0x3] =	stream.linear.gather [hbm4b:s25+s2], $0x800, $0x38;
	[tilespmem:$0x9800] =	vst v63  }
0xb: {  	s19 =	sadd.s32 $0x1B00, s31;
	[dreg:$0x5] =	wrdreg s18  }
0xc: {  	s20 =	sadd.s32 $0x2400, s31;
	[dreg:$0x6] =	wrdreg s19  }
0xd: {  	s21 =	sadd.s32 $0x2D00, s31;
	[dreg:$0x7] =	wrdreg s20  }
0xe: {  	s22 =	sadd.s32 $0x3600, s31;
	[dreg:$0x8] =	wrdreg s21  }
0xf: {  	s23 =	sadd.s32 $0x3F00, s31;
	[dreg:$0x9] =	wrdreg s22  }
0x10: {  	s24 =	sadd.s32 $0x4800, s31;
	[dreg:$0xa] =	wrdreg s23  }
0x11: {  	s26 =	sadd.s32 $0x5100, s31;
	[dreg:$0xb] =	wrdreg s24  }
0x12: {  	s4 =	simm.s32 $0x3;
	[dreg:$0xc] =	wrdreg s26  }
0x13: {  	_ =	swait.ge [sflag:s4], $0x800  }
0x14: {  	s5 =	sadd.s32 $0x3000, s5;
	[sflag:s4] =	ssyncset.done $0x0  }
0x15: {  	s6 =	simm.s32 $0x80;
	s7 =	simm.s32 $0x800;
	[sflag:s4] =	ssyncadd.s32 $0xFFFFF800  }
0x16: {  	[tilespmem:s7], [sflag:$0x1] =	stream.indirect.gather [hbm4b:s5+s6], $0x90, s2, s6, $0xb8;
	[tilespmem:$0x9800] =	vst v63  }
0x17: {  	s9 =	simm.s32 $0x1;
	s8 =	simm.s32 $0x5000  }
0x18: {  	[tilespmem:s8], [sflag:$0x2] =	stream.indirect.gather [hbm4b:s5+s6], $0x90, s6, s6, $0xb8;
	[tilespmem:$0x9800] =	vst v63  }
0x19: {  	_ =	swait.ge [sflag:s9], $0x4800  }
0x1a: {  	[sflag:s9] =	ssyncset.done $0x0  }
0x1b: {  	[sflag:s9] =	ssyncadd.s32 $0xFFFFB800  }
0x1c: {  	[hbm4b:s3+s2] =	stream.linear.scatter [tilespmem:s7], [sflag:$0x3], $0x4800, $0x38;
	[tilespmem:$0x9800] =	vst v63  }
0x1d: {  	_ =	swait.ge [sflag:s4], $0x4800  }
0x1e: {  	[sflag:s4] =	ssyncset.done $0x0  }
0x1f: {  	s10 =	simm.s32 $0x100;
	s11 =	simm.s32 $0x2;
	[sflag:s4] =	ssyncadd.s32 $0xFFFFB800  }
0x20: {  	[tilespmem:s7], [sflag:$0x1] =	stream.indirect.gather [hbm4b:s5+s6], $0x90, s10, s6, $0xb8;
	[tilespmem:$0x9800] =	vst v63  }
0x21: {  	_ =	swait.ge [sflag:s11], $0x4800  }
0x22: {  	[sflag:s11] =	ssyncset.done $0x0  }
0x23: {  	s12 =	rddreg [dreg:$0x4];
	[sflag:s11] =	ssyncadd.s32 $0xFFFFB800  }
0x24: {  	[hbm4b:s12+s2] =	stream.linear.scatter [tilespmem:s8], [sflag:$0x3], $0x4800, $0x38;
	[tilespmem:$0x9800] =	vst v63  }
0x25: {  	_ =	swait.ge [sflag:s4], $0x4800  }
0x26: {  	[sflag:s4] =	ssyncset.done $0x0  }
0x27: {  	s12 =	simm.s32 $0x180;
	[sflag:s4] =	ssyncadd.s32 $0xFFFFB800  }
0x28: {  	[tilespmem:s8], [sflag:$0x2] =	stream.indirect.gather [hbm4b:s5+s6], $0x90, s12, s6, $0xb8;
	[tilespmem:$0x9800] =	vst v63  }
0x29: {  	_ =	swait.ge [sflag:s9], $0x4800  }
0x2a: {  	[sflag:s9] =	ssyncset.done $0x0  }
0x2b: {  	s13 =	rddreg [dreg:$0x5];
	[sflag:s9] =	ssyncadd.s32 $0xFFFFB800  }
0x2c: {  	[hbm4b:s13+s2] =	stream.linear.scatter [tilespmem:s7], [sflag:$0x3], $0x4800, $0x38;
	[tilespmem:$0x9800] =	vst v63  }
0x2d: {  	_ =	swait.ge [sflag:s4], $0x4800  }
0x2e: {  	[sflag:s4] =	ssyncset.done $0x0  }
0x2f: {  	s13 =	simm.s32 $0x200;
	[sflag:s4] =	ssyncadd.s32 $0xFFFFB800  }
0x30: {  	[tilespmem:s7], [sflag:$0x1] =	stream.indirect.gather [hbm4b:s5+s6], $0x90, s13, s6, $0xb8;
	[tilespmem:$0x9800] =	vst v63  }
0x31: {  	_ =	swait.ge [sflag:s11], $0x4800  }
0x32: {  	[sflag:s11] =	ssyncset.done $0x0  }
0x33: {  	s14 =	rddreg [dreg:$0x6];
	[sflag:s11] =	ssyncadd.s32 $0xFFFFB800  }
0x34: {  	[hbm4b:s14+s2] =	stream.linear.scatter [tilespmem:s8], [sflag:$0x3], $0x4800, $0x38;
	[tilespmem:$0x9800] =	vst v63  }
0x35: {  	_ =	swait.ge [sflag:s4], $0x4800  }
0x36: {  	[sflag:s4] =	ssyncset.done $0x0  }
0x37: {  	s14 =	simm.s32 $0x280;
	[sflag:s4] =	ssyncadd.s32 $0xFFFFB800  }
0x38: {  	[tilespmem:s8], [sflag:$0x2] =	stream.indirect.gather [hbm4b:s5+s6], $0x90, s14, s6, $0xb8;
	[tilespmem:$0x9800] =	vst v63  }
0x39: {  	_ =	swait.ge [sflag:s9], $0x4800  }
0x3a: {  	[sflag:s9] =	ssyncset.done $0x0  }
0x3b: {  	s15 =	rddreg [dreg:$0x7];
	[sflag:s9] =	ssyncadd.s32 $0xFFFFB800  }
0x3c: {  	[hbm4b:s15+s2] =	stream.linear.scatter [tilespmem:s7], [sflag:$0x3], $0x4800, $0x38;
	[tilespmem:$0x9800] =	vst v63  }
0x3d: {  	_ =	swait.ge [sflag:s4], $0x4800  }
0x3e: {  	[sflag:s4] =	ssyncset.done $0x0  }
0x3f: {  	s15 =	simm.s32 $0x300;
	[sflag:s4] =	ssyncadd.s32 $0xFFFFB800  }
0x40: {  	[tilespmem:s7], [sflag:$0x1] =	stream.indirect.gather [hbm4b:s5+s6], $0x90, s15, s6, $0xb8;
	[tilespmem:$0x9800] =	vst v63  }
0x41: {  	_ =	swait.ge [sflag:s11], $0x4800  }
0x42: {  	[sflag:s11] =	ssyncset.done $0x0  }
0x43: {  	s16 =	rddreg [dreg:$0x8];
	[sflag:s11] =	ssyncadd.s32 $0xFFFFB800  }
0x44: {  	[hbm4b:s16+s2] =	stream.linear.scatter [tilespmem:s8], [sflag:$0x3], $0x4800, $0x38;
	[tilespmem:$0x9800] =	vst v63  }
0x45: {  	_ =	swait.ge [sflag:s4], $0x4800  }
0x46: {  	[sflag:s4] =	ssyncset.done $0x0  }
0x47: {  	s16 =	simm.s32 $0x380;
	[sflag:s4] =	ssyncadd.s32 $0xFFFFB800  }
0x48: {  	[tilespmem:s8], [sflag:$0x2] =	stream.indirect.gather [hbm4b:s5+s6], $0x90, s16, s6, $0xb8;
	[tilespmem:$0x9800] =	vst v63  }
0x49: {  	_ =	swait.ge [sflag:s9], $0x4800  }
0x4a: {  	[sflag:s9] =	ssyncset.done $0x0  }
0x4b: {  	s17 =	rddreg [dreg:$0x9];
	[sflag:s9] =	ssyncadd.s32 $0xFFFFB800  }
0x4c: {  	[hbm4b:s17+s2] =	stream.linear.scatter [tilespmem:s7], [sflag:$0x3], $0x4800, $0x38;
	[tilespmem:$0x9800] =	vst v63  }
0x4d: {  	_ =	swait.ge [sflag:s4], $0x4800  }
0x4e: {  	[sflag:s4] =	ssyncset.done $0x0  }
0x4f: {  	s17 =	simm.s32 $0x400;
	[sflag:s4] =	ssyncadd.s32 $0xFFFFB800  }
0x50: {  	[tilespmem:s7], [sflag:$0x1] =	stream.indirect.gather [hbm4b:s5+s6], $0x90, s17, s6, $0xb8;
	[tilespmem:$0x9800] =	vst v63  }
0x51: {  	_ =	swait.ge [sflag:s11], $0x4800  }
0x52: {  	[sflag:s11] =	ssyncset.done $0x0  }
0x53: {  	s18 =	rddreg [dreg:$0xa];
	[sflag:s11] =	ssyncadd.s32 $0xFFFFB800  }
0x54: {  	[hbm4b:s18+s2] =	stream.linear.scatter [tilespmem:s8], [sflag:$0x3], $0x4800, $0x38;
	[tilespmem:$0x9800] =	vst v63  }
0x55: {  	_ =	swait.ge [sflag:s4], $0x4800  }
0x56: {  	[sflag:s4] =	ssyncset.done $0x0  }
0x57: {  	s18 =	simm.s32 $0x480;
	[sflag:s4] =	ssyncadd.s32 $0xFFFFB800  }
0x58: {  	[tilespmem:s8], [sflag:$0x2] =	stream.indirect.gather [hbm4b:s5+s6], $0x90, s18, s6, $0xb8;
	[tilespmem:$0x9800] =	vst v63  }
0x59: {  	_ =	swait.ge [sflag:s9], $0x4800  }
0x5a: {  	[sflag:s9] =	ssyncset.done $0x0  }
0x5b: {  	s19 =	rddreg [dreg:$0xb];
	[sflag:s9] =	ssyncadd.s32 $0xFFFFB800  }
0x5c: {  	[hbm4b:s19+s2] =	stream.linear.scatter [tilespmem:s7], [sflag:$0x3], $0x4800, $0x38;
	[tilespmem:$0x9800] =	vst v63  }
0x5d: {  	_ =	swait.ge [sflag:s4], $0x4800  }
0x5e: {  	[sflag:s4] =	ssyncset.done $0x0  }
0x5f: {  	s19 =	simm.s32 $0x500;
	[sflag:s4] =	ssyncadd.s32 $0xFFFFB800  }
0x60: {  	[tilespmem:s7], [sflag:$0x1] =	stream.indirect.gather [hbm4b:s5+s6], $0x90, s19, s6, $0xb8;
	[tilespmem:$0x9800] =	vst v63  }
0x61: {  	_ =	swait.ge [sflag:s11], $0x4800  }
0x62: {  	[sflag:s11] =	ssyncset.done $0x0  }
0x63: {  	s20 =	rddreg [dreg:$0xc];
	[sflag:s11] =	ssyncadd.s32 $0xFFFFB800  }
0x64: {  	[hbm4b:s20+s2] =	stream.linear.scatter [tilespmem:s8], [sflag:$0x3], $0x4800, $0x38;
	[tilespmem:$0x9800] =	vst v63  }
0x65: {  	_ =	swait.ge [sflag:s4], $0x4800  }
0x66: {  	[sflag:s4] =	ssyncset.done $0x0  }
0x67: {  	s20 =	simm.s32 $0x580;
	[sflag:s4] =	ssyncadd.s32 $0xFFFFB800  }
0x68: {  	[tilespmem:s8], [sflag:$0x2] =	stream.indirect.gather [hbm4b:s5+s6], $0x90, s20, s6, $0xb8;
	[tilespmem:$0x9800] =	vst v63  }
0x69: {  	_ =	swait.ge [sflag:s9], $0x4800  }
0x6a: {  	[sflag:s9] =	ssyncset.done $0x0  }
0x6b: {  	s21 =	sadd.s32 $0x5A00, s31;
	[sflag:s9] =	ssyncadd.s32 $0xFFFFB800  }
0x6c: {  	[hbm4b:s21+s2] =	stream.linear.scatter [tilespmem:s7], [sflag:$0x3], $0x4800, $0x38;
	[tilespmem:$0x9800] =	vst v63  }
0x6d: {  	_ =	swait.ge [sflag:s4], $0x4800  }
0x6e: {  	[sflag:s4] =	ssyncset.done $0x0  }
0x6f: {  	s22 =	simm.s32 $0x600;
	[sflag:s4] =	ssyncadd.s32 $0xFFFFB800  }
0x70: {  	[tilespmem:s7], [sflag:$0x1] =	stream.indirect.gather [hbm4b:s5+s6], $0x90, s22, s6, $0xb8;
	[tilespmem:$0x9800] =	vst v63  }
0x71: {  	_ =	swait.ge [sflag:s11], $0x4800  }
0x72: {  	[sflag:s11] =	ssyncset.done $0x0  }
0x73: {  	s23 =	sadd.s32 $0x6300, s31;
	[sflag:s11] =	ssyncadd.s32 $0xFFFFB800  }
0x74: {  	[hbm4b:s23+s2] =	stream.linear.scatter [tilespmem:s8], [sflag:$0x3], $0x4800, $0x38;
	[tilespmem:$0x9800] =	vst v63  }
0x75: {  	_ =	swait.ge [sflag:s4], $0x4800  }
0x76: {  	[sflag:s4] =	ssyncset.done $0x0  }
0x77: {  	s24 =	simm.s32 $0x680;
	[sflag:s4] =	ssyncadd.s32 $0xFFFFB800  }
0x78: {  	[tilespmem:s8], [sflag:$0x2] =	stream.indirect.gather [hbm4b:s5+s6], $0x90, s24, s6, $0xb8;
	[tilespmem:$0x9800] =	vst v63  }
0x79: {  	_ =	swait.ge [sflag:s9], $0x4800  }
0x7a: {  	[sflag:s9] =	ssyncset.done $0x0  }
0x7b: {  	s25 =	sadd.s32 $0x6C00, s31;
	[sflag:s9] =	ssyncadd.s32 $0xFFFFB800  }
0x7c: {  	[hbm4b:s25+s2] =	stream.linear.scatter [tilespmem:s7], [sflag:$0x3], $0x4800, $0x38;
	[tilespmem:$0x9800] =	vst v63  }
0x7d: {  	_ =	swait.ge [sflag:s4], $0x4800  }
0x7e: {  	[sflag:s4] =	ssyncset.done $0x0  }
0x7f: {  	s26 =	simm.s32 $0x700;
	[sflag:s4] =	ssyncadd.s32 $0xFFFFB800  }
0x80: {  	[tilespmem:s7], [sflag:$0x1] =	stream.indirect.gather [hbm4b:s5+s6], $0x90, s26, s6, $0xb8;
	[tilespmem:$0x9800] =	vst v63  }
0x81: {  	_ =	swait.ge [sflag:s11], $0x4800  }
0x82: {  	[sflag:s11] =	ssyncset.done $0x0  }
0x83: {  	s28 =	sadd.s32 $0x7500, s31;
	[sflag:s11] =	ssyncadd.s32 $0xFFFFB800  }
0x84: {  	[hbm4b:s28+s2] =	stream.linear.scatter [tilespmem:s8], [sflag:$0x3], $0x4800, $0x38;
	[tilespmem:$0x9800] =	vst v63  }
0x85: {  	_ =	swait.ge [sflag:s4], $0x4800  }
0x86: {  	[sflag:s4] =	ssyncset.done $0x0  }
0x87: {  	s29 =	simm.s32 $0x780;
	[sflag:s4] =	ssyncadd.s32 $0xFFFFB800  }
0x88: {  	[tilespmem:s8], [sflag:$0x2] =	stream.indirect.gather [hbm4b:s5+s6], $0x90, s29, s6, $0xb8;
	[tilespmem:$0x9800] =	vst v63  }
0x89: {  	_ =	swait.ge [sflag:s9], $0x4800  }
0x8a: {  	s1 =	ssub.s32 $0x2, s1;
	[sflag:s9] =	ssyncset.done $0x0  }
0x8b: {  	s0 =	sshrl.u32 s1, $0x1;
	s30 =	sadd.s32 $0x7E00, s31;
	[sflag:s9] =	ssyncadd.s32 $0xFFFFB800  }
0x8c: {  	[hbm4b:s30+s2] =	stream.linear.scatter [tilespmem:s7], [sflag:$0x3], $0x4800, $0x38;
	[tilespmem:$0x9800] =	vst v63  }
0x8d: {  	s0 =	ssub.s32 s1, s0;
	_ =	swait.ge [sflag:s4], $0x4800  }
0x8e: {  	s0 =	smax.u32 s0, $0x1;
	[sflag:s4] =	ssyncset.done $0x0  }
0x8f: {  	p0 =	sne.s32 s0, $0x1;
	[sflag:s4] =	ssyncadd.s32 $0xFFFFB800  }
.Ltmp0:
0x90: {  	_ =	swait.ge [sflag:s11], $0x4800;
	(pc) =	sbr.rel @!p0 .LBB2_2-.Ltmp0, $4  }
0x91: {  	[sflag:s11] =	ssyncset.done $0x0  }
0x92: {  	s31 =	sadd.s32 $0x8700, s31;
	[sflag:s11] =	ssyncadd.s32 $0xFFFFB800  }
0x93: {  	[hbm4b:s31+s2] =	stream.linear.scatter [tilespmem:s8], [sflag:$0x3], $0x4800, $0x38;
	[tilespmem:$0x9800] =	vst v63  }
0x94: {  	s1 =	sadd.s32 $0xFFFFFFFF, s0;
	_ =	swait.ge [sflag:s4], $0x4800  }
.LBB2_1:
0x95: {  	[sflag:s4] =	ssyncset.done $0x0  }
0x96: {  	s0 =	rddreg [dreg:$0x3];
	[sflag:s4] =	ssyncadd.s32 $0xFFFFB800  }
0x97: {  	[tilespmem:s2], [sflag:$0x3] =	stream.linear.gather [hbm4b:s0+s2], $0x800, $0x38;
	[tilespmem:$0x9800] =	vst v63  }
0x98: {  	_ =	swait.ge [sflag:s4], $0x800  }
0x99: {  	[sflag:s4] =	ssyncset.done $0x0  }
0x9a: {  	[sflag:s4] =	ssyncadd.s32 $0xFFFFF800  }
0x9b: {  	[tilespmem:s7], [sflag:$0x1] =	stream.indirect.gather [hbm4b:s5+s6], $0x90, s2, s6, $0xb8;
	[tilespmem:$0x9800] =	vst v63  }
0x9c: {  	_ = 	snop  }
0x9d: {  	[tilespmem:s8], [sflag:$0x2] =	stream.indirect.gather [hbm4b:s5+s6], $0x90, s6, s6, $0xb8;
	[tilespmem:$0x9800] =	vst v63  }
0x9e: {  	_ =	swait.ge [sflag:s9], $0x4800  }
0x9f: {  	[sflag:s9] =	ssyncset.done $0x0  }
0xa0: {  	[sflag:s9] =	ssyncadd.s32 $0xFFFFB800  }
0xa1: {  	[hbm4b:s3+s2] =	stream.linear.scatter [tilespmem:s7], [sflag:$0x3], $0x4800, $0x38;
	[tilespmem:$0x9800] =	vst v63  }
0xa2: {  	_ =	swait.ge [sflag:s4], $0x4800  }
0xa3: {  	[sflag:s4] =	ssyncset.done $0x0  }
0xa4: {  	[sflag:s4] =	ssyncadd.s32 $0xFFFFB800  }
0xa5: {  	[tilespmem:s7], [sflag:$0x1] =	stream.indirect.gather [hbm4b:s5+s6], $0x90, s10, s6, $0xb8;
	[tilespmem:$0x9800] =	vst v63  }
0xa6: {  	_ =	swait.ge [sflag:s11], $0x4800  }
0xa7: {  	[sflag:s11] =	ssyncset.done $0x0  }
0xa8: {  	s0 =	rddreg [dreg:$0x4];
	[sflag:s11] =	ssyncadd.s32 $0xFFFFB800  }
0xa9: {  	[hbm4b:s0+s2] =	stream.linear.scatter [tilespmem:s8], [sflag:$0x3], $0x4800, $0x38;
	[tilespmem:$0x9800] =	vst v63  }
0xaa: {  	_ =	swait.ge [sflag:s4], $0x4800  }
0xab: {  	[sflag:s4] =	ssyncset.done $0x0  }
0xac: {  	[sflag:s4] =	ssyncadd.s32 $0xFFFFB800  }
0xad: {  	[tilespmem:s8], [sflag:$0x2] =	stream.indirect.gather [hbm4b:s5+s6], $0x90, s12, s6, $0xb8;
	[tilespmem:$0x9800] =	vst v63  }
0xae: {  	_ =	swait.ge [sflag:s9], $0x4800  }
0xaf: {  	[sflag:s9] =	ssyncset.done $0x0  }
0xb0: {  	s0 =	rddreg [dreg:$0x5];
	[sflag:s9] =	ssyncadd.s32 $0xFFFFB800  }
0xb1: {  	[hbm4b:s0+s2] =	stream.linear.scatter [tilespmem:s7], [sflag:$0x3], $0x4800, $0x38;
	[tilespmem:$0x9800] =	vst v63  }
0xb2: {  	_ =	swait.ge [sflag:s4], $0x4800  }
0xb3: {  	[sflag:s4] =	ssyncset.done $0x0  }
0xb4: {  	[sflag:s4] =	ssyncadd.s32 $0xFFFFB800  }
0xb5: {  	[tilespmem:s7], [sflag:$0x1] =	stream.indirect.gather [hbm4b:s5+s6], $0x90, s13, s6, $0xb8;
	[tilespmem:$0x9800] =	vst v63  }
0xb6: {  	_ =	swait.ge [sflag:s11], $0x4800  }
0xb7: {  	[sflag:s11] =	ssyncset.done $0x0  }
0xb8: {  	s0 =	rddreg [dreg:$0x6];
	[sflag:s11] =	ssyncadd.s32 $0xFFFFB800  }
0xb9: {  	[hbm4b:s0+s2] =	stream.linear.scatter [tilespmem:s8], [sflag:$0x3], $0x4800, $0x38;
	[tilespmem:$0x9800] =	vst v63  }
0xba: {  	_ =	swait.ge [sflag:s4], $0x4800  }
0xbb: {  	[sflag:s4] =	ssyncset.done $0x0  }
0xbc: {  	[sflag:s4] =	ssyncadd.s32 $0xFFFFB800  }
0xbd: {  	[tilespmem:s8], [sflag:$0x2] =	stream.indirect.gather [hbm4b:s5+s6], $0x90, s14, s6, $0xb8;
	[tilespmem:$0x9800] =	vst v63  }
0xbe: {  	_ =	swait.ge [sflag:s9], $0x4800  }
0xbf: {  	[sflag:s9] =	ssyncset.done $0x0  }
0xc0: {  	s0 =	rddreg [dreg:$0x7];
	[sflag:s9] =	ssyncadd.s32 $0xFFFFB800  }
0xc1: {  	[hbm4b:s0+s2] =	stream.linear.scatter [tilespmem:s7], [sflag:$0x3], $0x4800, $0x38;
	[tilespmem:$0x9800] =	vst v63  }
0xc2: {  	_ =	swait.ge [sflag:s4], $0x4800  }
0xc3: {  	[sflag:s4] =	ssyncset.done $0x0  }
0xc4: {  	[sflag:s4] =	ssyncadd.s32 $0xFFFFB800  }
0xc5: {  	[tilespmem:s7], [sflag:$0x1] =	stream.indirect.gather [hbm4b:s5+s6], $0x90, s15, s6, $0xb8;
	[tilespmem:$0x9800] =	vst v63  }
0xc6: {  	_ =	swait.ge [sflag:s11], $0x4800  }
0xc7: {  	[sflag:s11] =	ssyncset.done $0x0  }
0xc8: {  	s0 =	rddreg [dreg:$0x8];
	[sflag:s11] =	ssyncadd.s32 $0xFFFFB800  }
0xc9: {  	[hbm4b:s0+s2] =	stream.linear.scatter [tilespmem:s8], [sflag:$0x3], $0x4800, $0x38;
	[tilespmem:$0x9800] =	vst v63  }
0xca: {  	_ =	swait.ge [sflag:s4], $0x4800  }
0xcb: {  	[sflag:s4] =	ssyncset.done $0x0  }
0xcc: {  	[sflag:s4] =	ssyncadd.s32 $0xFFFFB800  }
0xcd: {  	[tilespmem:s8], [sflag:$0x2] =	stream.indirect.gather [hbm4b:s5+s6], $0x90, s16, s6, $0xb8;
	[tilespmem:$0x9800] =	vst v63  }
0xce: {  	_ =	swait.ge [sflag:s9], $0x4800  }
0xcf: {  	[sflag:s9] =	ssyncset.done $0x0  }
0xd0: {  	s0 =	rddreg [dreg:$0x9];
	[sflag:s9] =	ssyncadd.s32 $0xFFFFB800  }
0xd1: {  	[hbm4b:s0+s2] =	stream.linear.scatter [tilespmem:s7], [sflag:$0x3], $0x4800, $0x38;
	[tilespmem:$0x9800] =	vst v63  }
0xd2: {  	_ =	swait.ge [sflag:s4], $0x4800  }
0xd3: {  	[sflag:s4] =	ssyncset.done $0x0  }
0xd4: {  	[sflag:s4] =	ssyncadd.s32 $0xFFFFB800  }
0xd5: {  	[tilespmem:s7], [sflag:$0x1] =	stream.indirect.gather [hbm4b:s5+s6], $0x90, s17, s6, $0xb8;
	[tilespmem:$0x9800] =	vst v63  }
0xd6: {  	_ =	swait.ge [sflag:s11], $0x4800  }
0xd7: {  	[sflag:s11] =	ssyncset.done $0x0  }
0xd8: {  	s0 =	rddreg [dreg:$0xa];
	[sflag:s11] =	ssyncadd.s32 $0xFFFFB800  }
0xd9: {  	[hbm4b:s0+s2] =	stream.linear.scatter [tilespmem:s8], [sflag:$0x3], $0x4800, $0x38;
	[tilespmem:$0x9800] =	vst v63  }
0xda: {  	_ =	swait.ge [sflag:s4], $0x4800  }
0xdb: {  	[sflag:s4] =	ssyncset.done $0x0  }
0xdc: {  	[sflag:s4] =	ssyncadd.s32 $0xFFFFB800  }
0xdd: {  	[tilespmem:s8], [sflag:$0x2] =	stream.indirect.gather [hbm4b:s5+s6], $0x90, s18, s6, $0xb8;
	[tilespmem:$0x9800] =	vst v63  }
0xde: {  	_ =	swait.ge [sflag:s9], $0x4800  }
0xdf: {  	[sflag:s9] =	ssyncset.done $0x0  }
0xe0: {  	s0 =	rddreg [dreg:$0xb];
	[sflag:s9] =	ssyncadd.s32 $0xFFFFB800  }
0xe1: {  	[hbm4b:s0+s2] =	stream.linear.scatter [tilespmem:s7], [sflag:$0x3], $0x4800, $0x38;
	[tilespmem:$0x9800] =	vst v63  }
0xe2: {  	_ =	swait.ge [sflag:s4], $0x4800  }
0xe3: {  	[sflag:s4] =	ssyncset.done $0x0  }
0xe4: {  	[sflag:s4] =	ssyncadd.s32 $0xFFFFB800  }
0xe5: {  	[tilespmem:s7], [sflag:$0x1] =	stream.indirect.gather [hbm4b:s5+s6], $0x90, s19, s6, $0xb8;
	[tilespmem:$0x9800] =	vst v63  }
0xe6: {  	_ =	swait.ge [sflag:s11], $0x4800  }
0xe7: {  	[sflag:s11] =	ssyncset.done $0x0  }
0xe8: {  	s0 =	rddreg [dreg:$0xc];
	[sflag:s11] =	ssyncadd.s32 $0xFFFFB800  }
0xe9: {  	[hbm4b:s0+s2] =	stream.linear.scatter [tilespmem:s8], [sflag:$0x3], $0x4800, $0x38;
	[tilespmem:$0x9800] =	vst v63  }
0xea: {  	_ =	swait.ge [sflag:s4], $0x4800  }
0xeb: {  	[sflag:s4] =	ssyncset.done $0x0  }
0xec: {  	[sflag:s4] =	ssyncadd.s32 $0xFFFFB800  }
0xed: {  	[tilespmem:s8], [sflag:$0x2] =	stream.indirect.gather [hbm4b:s5+s6], $0x90, s20, s6, $0xb8;
	[tilespmem:$0x9800] =	vst v63  }
0xee: {  	_ =	swait.ge [sflag:s9], $0x4800  }
0xef: {  	[sflag:s9] =	ssyncset.done $0x0  }
0xf0: {  	[sflag:s9] =	ssyncadd.s32 $0xFFFFB800  }
0xf1: {  	[hbm4b:s21+s2] =	stream.linear.scatter [tilespmem:s7], [sflag:$0x3], $0x4800, $0x38;
	[tilespmem:$0x9800] =	vst v63  }
0xf2: {  	_ =	swait.ge [sflag:s4], $0x4800  }
0xf3: {  	[sflag:s4] =	ssyncset.done $0x0  }
0xf4: {  	[sflag:s4] =	ssyncadd.s32 $0xFFFFB800  }
0xf5: {  	[tilespmem:s7], [sflag:$0x1] =	stream.indirect.gather [hbm4b:s5+s6], $0x90, s22, s6, $0xb8;
	[tilespmem:$0x9800] =	vst v63  }
0xf6: {  	_ =	swait.ge [sflag:s11], $0x4800  }
0xf7: {  	[sflag:s11] =	ssyncset.done $0x0  }
0xf8: {  	[sflag:s11] =	ssyncadd.s32 $0xFFFFB800  }
0xf9: {  	[hbm4b:s23+s2] =	stream.linear.scatter [tilespmem:s8], [sflag:$0x3], $0x4800, $0x38;
	[tilespmem:$0x9800] =	vst v63  }
0xfa: {  	_ =	swait.ge [sflag:s4], $0x4800  }
0xfb: {  	[sflag:s4] =	ssyncset.done $0x0  }
0xfc: {  	[sflag:s4] =	ssyncadd.s32 $0xFFFFB800  }
0xfd: {  	[tilespmem:s8], [sflag:$0x2] =	stream.indirect.gather [hbm4b:s5+s6], $0x90, s24, s6, $0xb8;
	[tilespmem:$0x9800] =	vst v63  }
0xfe: {  	_ =	swait.ge [sflag:s9], $0x4800  }
0xff: {  	[sflag:s9] =	ssyncset.done $0x0  }
0x100: {  	[sflag:s9] =	ssyncadd.s32 $0xFFFFB800  }
0x101: {  	[hbm4b:s25+s2] =	stream.linear.scatter [tilespmem:s7], [sflag:$0x3], $0x4800, $0x38;
	[tilespmem:$0x9800] =	vst v63  }
0x102: {  	_ =	swait.ge [sflag:s4], $0x4800  }
0x103: {  	[sflag:s4] =	ssyncset.done $0x0  }
0x104: {  	[sflag:s4] =	ssyncadd.s32 $0xFFFFB800  }
0x105: {  	[tilespmem:s7], [sflag:$0x1] =	stream.indirect.gather [hbm4b:s5+s6], $0x90, s26, s6, $0xb8;
	[tilespmem:$0x9800] =	vst v63  }
0x106: {  	_ =	swait.ge [sflag:s11], $0x4800  }
0x107: {  	[sflag:s11] =	ssyncset.done $0x0  }
0x108: {  	[sflag:s11] =	ssyncadd.s32 $0xFFFFB800  }
0x109: {  	[hbm4b:s28+s2] =	stream.linear.scatter [tilespmem:s8], [sflag:$0x3], $0x4800, $0x38;
	[tilespmem:$0x9800] =	vst v63  }
0x10a: {  	_ =	swait.ge [sflag:s4], $0x4800  }
0x10b: {  	[sflag:s4] =	ssyncset.done $0x0  }
0x10c: {  	[sflag:s4] =	ssyncadd.s32 $0xFFFFB800  }
0x10d: {  	[tilespmem:s8], [sflag:$0x2] =	stream.indirect.gather [hbm4b:s5+s6], $0x90, s29, s6, $0xb8;
	[tilespmem:$0x9800] =	vst v63  }
0x10e: {  	_ =	swait.ge [sflag:s9], $0x4800  }
0x10f: {  	[sflag:s9] =	ssyncset.done $0x0  }
0x110: {  	[sflag:s9] =	ssyncadd.s32 $0xFFFFB800  }
0x111: {  	[hbm4b:s30+s2] =	stream.linear.scatter [tilespmem:s7], [sflag:$0x3], $0x4800, $0x38;
	[tilespmem:$0x9800] =	vst v63  }
0x112: {  	_ =	swait.ge [sflag:s4], $0x4800  }
0x113: {  	[sflag:s4] =	ssyncset.done $0x0  }
0x114: {  	p0 =	sne.s32 s1, $0x1;
	[sflag:s4] =	ssyncadd.s32 $0xFFFFB800  }
.Ltmp1:
0x115: {  	_ =	swait.ge [sflag:s11], $0x4800;
	(pc) =	sbr.rel @p0 .LBB2_1-.Ltmp1, $4  }
0x116: {  	[sflag:s11] =	ssyncset.done $0x0  }
0x117: {  	[sflag:s11] =	ssyncadd.s32 $0xFFFFB800  }
0x118: {  	[hbm4b:s31+s2] =	stream.linear.scatter [tilespmem:s8], [sflag:$0x3], $0x4800, $0x38;
	[tilespmem:$0x9800] =	vst v63  }
0x119: {  	s1 =	sadd.s32 $0xFFFFFFFF, s1;
	_ =	swait.ge [sflag:s4], $0x4800  }
.LBB2_2:
0x11a: {  	[sflag:s4] =	ssyncset.done $0x0  }
0x11b: {  	[sflag:s4] =	ssyncadd.s32 $0xFFFFB800  }
0x11c: {  	_ =	sfence.sel $0x180000  }
0x11d: {  	[bflag:$0x0] =	sbarrier.arrive $0xFFFF  }
0x11e: {  	_ =	strace $0x90000047  }
0x11f: {  	s0 =	stileid.u32;
	[bflag:$0x2] =	sbarrier.arrive $0xFFFF  }
0x120: {  	p0 =	sne.s32 s0, $0x0;
	s0 =	rddreg [dreg:$0x2]  }
0x121: {  	s0 =	sadd.s32 @!p0 $0x100000, s0  }
0x122: {  	[sflag:s0] =	ssyncadd.tile.s32 @!p0 $0x1;
	_ =	shalt  }
.Lfunc_end2:
_tile_overlayer_lowered:
.L_overlay_start_2:
0x123: {  	(tag) =	ssettag $0x2  }
0x124: {  	s0 =	rddreg [dreg:$0x0];
	s2 =	stileid.u32  }
0x125: {  	s1 =	rddreg [dreg:$0x1];
	p0 =	sne.s32 s2, $0x0  }
0x126: {  	s3 =	rddreg [dreg:$0x2];
	[bflag:$0x3] =	sbarrier.arrive $0xFFFF;
	s2 =	simm.s32 @!p0 $0x1C03  }
0x127: {  	[timem:s3], [sflag:s2] =	dma.local @!p0 [hbm:s0], s1  }
0x128: {  	s0 =	simm.s32 @!p0 $0x3  }
0x129: {  	_ =	swait.ge @!p0 [sflag:s0], s1  }
0x12a: {  	s1 =	ssub.s32 @!p0 $0x0, s1;
	[sflag:s0] =	ssyncset.done @!p0 $0x0  }
0x12b: {  	[sflag:s0] =	ssyncadd.s32 @!p0 s1  }
0x12c: {  	[bflag:$0x3] =	sbarrier.arrive $0xFFFF  }
0x12d: {  	_ =	shalt  }

// kernel: sparse-core-data-format-call.cloned.1.call-start
scs
called_computation_lowered:
.L_overlay_start_0:
0x0: {  	s2 =	sld [smem:$0x3FD9]  }
0x1: {  	s3 =	sld [smem:$0x3FFE];
	_ =	sdelay $0x1  }
0x2: {  	s1 =	srdreg.scid  }
0x3: {  	s0 =	sand.u32 $0x1, s1  }
0x4: {  	s15 =	sshll.u32 s0, $0xA;
	s2 =	sadd.s32 s3, s2  }
0x5: {  	s2 =	sadd.s32 s2, s15  }
0x6: {  	[smem:$0x3FBE] =	sst s2  }
0x7: {  	_ = 	snop  }
0x8: {  	s2 =	sld [smem:$0x3FD0];
	_ =	sdelay $0x2  }
0x9: {  	s16 =	simm.s32 $0xA;
	s4 =	simm.s32 $0x10  }
0xa: {  	[smem:s4], [sflag:s16] =	dma.local [hbm:s2], $0x1  }
0xb: {  	_ =	swait.eq [sflag:s16], $0x1  }
0xc: {  	[sflag:s16] =	ssyncset.done $0x0  }
0xd: {  	[sflag:s16] =	ssyncadd.s32 $0xFFFFFFFF  }
0xe: {  	s17 =	sld [smem:$0x13];
	(tm) =	ssettm $0x1  }
0xf: {  	s18 =	sld [smem:$0x3FFB];
	_ =	sdelay $0x3  }
0x10: {  	_ =	strace s18  }
0x11: {  	s3 =	sld [smem:$0x3FFC];
	_ =	sdelay $0x3  }
0x12: {  	_ =	strace s3  }
0x13: {  	s3 =	sld [smem:$0x3FFD];
	_ =	sdelay $0x3  }
0x14: {  	_ =	strace s3  }
0x15: {  	_ =	strace $0x8FFFFFFF  }
0x16: {  	s19 =	sld [smem:$0x3FDB];
	_ =	sdelay $0x1  }
0x17: {  	s20 =	simm.s32 $_scs_section_size  }
0x18: {  	s5 =	simm.s32 $_size__tile_overlayer_lowered;
	s6 =	simm.s32 $_tile_overlayer_lowered  }
0x19: {  	s23 =	simm.s32 $0x1BFF;
	s22 =	sshll.u32 s6, $0x1;
	s3 =	sadd.s32 s20, s19  }
0x1a: {  	s7 =	simm.s32 $0x0;
	s21 =	sshll.u32 s5, $0x1;
	s5 =	sadd.s32 s22, s3  }
0x1b: {  	[timem:s7], [sflag:s23] =	dma.local [hbm:s5], s21  }
0x1c: {  	_ =	swait.ge [sflag:s23], s21  }
0x1d: {  	s4 =	ssub.s32 $0x0, s21;
	[sflag:s23] =	ssyncset.done $0x0  }
0x1e: {  	[sflag:s23] =	ssyncadd.s32 s4;
	_ =	sdelay $0x1  }
0x1f: {  	s24 =	simm.s32 $0x1B8B  }
0x20: {  	_ =	swait.ge [sflag:s24], $0x1  }
0x21: {  	[sflag:s24] =	ssyncset.done $0x0  }
0x22: {  	s26 =	simm.s32 $0x1B8E;
	s25 =	sld [smem:$0x3FFE];
	[sflag:s24] =	ssyncadd.s32 $0xFFFFFFFF  }
0x23: {  	s27 =	simm.s32 $execute0_lowered;
	[smem:$0x3FD2] =	sst s26  }
0x24: {  	s5 =	sshll.u32 s27, $0x1;
	_ =	strace $0x80000049;
	[dreg:$0x1] =	wrdreg $0xFFFFFFFF  }
0x25: {  	s28 =	simm.s32 $_size_execute0_lowered;
	s3 =	sadd.s32 s3, s5;
	[dreg:$0x0] =	wrdreg $0x0  }
0x26: {  	s5 =	sshll.u32 s28, $0x1;
	[dreg:$0x2] =	wrdreg s3  }
0x27: {  	[dreg:$0x3] =	wrdreg s5  }
0x28: {  	[dreg:$0x4] =	wrdreg $0xC0  }
0x29: {  	_ =	task [dreg:s7], $0x5FFFF  }
0x2a: {  	[dreg:$0x1] =	wrdreg $0xFFFFFFFF  }
0x2b: {  	[dreg:$0x0] =	wrdreg $0x60  }
0x2c: {  	[dreg:$0x2] =	wrdreg s25  }
0x2d: {  	[dreg:$0x3] =	wrdreg s17  }
0x2e: {  	[dreg:$0x4] =	wrdreg $0x9  }
0x2f: {  	_ =	task.clear_ibuf [dreg:s7], $0x5FFFF;
	_ =	strace $0x90000049  }
0x30: {  	s29 =	simm.s32 $0x9;
	_ =	strace $0x8000004B  }
0x31: {  	_ =	swait.ge [sflag:s29], $0x1  }
0x32: {  	[sflag:s29] =	ssyncadd.s32 $0xFFFFFFFF  }
0x33: {  	_ =	strace $0x9000004B  }
0x34: {  	_ =	sfence  }
0x35: {  	s30 =	sld [smem:$0x0];
	_ =	sdelay $0x2  }
0x36: {  	s31 =	sshll.u32 s1, $0xD;
	s1 =	sshrl.u32 s1, $0x2  }
0x37: {  	s3 =	sand.u32 $0x4000, s31;
	s1 =	sadd.s32 s1, s30  }
0x38: {  	s0 =	sor.u32 s3, s0;
	s1 =	sshll.u32 s1, $0x11  }
0x39: {  	s0 =	sor.u32 s1, s0  }
0x3a: {  	s0 =	sadd.s32 $0x8F2B, s0  }
0x3b: {  	[sflag:s0] =	ssyncadd.remote.s32 $0x1  }
0x3c: {  	_ =	sfence.sel $0xFFFF  }
0x3d: {  	[dreg:$0x0] =	wrdreg $0xFFFFFFFF;
	(pc) =	sbr.abs _section_cstart, $3  }
0x3e: {  	[dreg:$0x1] =	wrdreg $0xFFFFFFFF  }
0x3f: {  	_ =	task.clear_ibuf [dreg:s7], $0x2FFFF;
	_ =	strace $0x9FFFFFFF  }
0x40: {  	(tm) =	ssettm $0x7FFFFFFF  }
0x41: {  	_ =	shalt  }
tec
execute0_lowered:
.L_overlay_start_1:
0x0: {  	(tag) =	ssettag $0x1  }
0x1: {  	s0 =	stileid.u32;
	s4 =	rddreg [dreg:$0x0]  }
0x2: {  	s1 =	srdreg.scid;
	s3 =	rddreg [dreg:$0x1]  }
0x3: {  	s8 =	simm.s32 $0x2;
	s15 =	simm.s32 $0x0;
	s9 =	simm.s32 $0x4000  }
0x4: {  	s18 =	simm.s32 $0x0;
	s2 =	sshll.u32 s0, $0x5;
	s1 =	sshll.u32 s1, $0x9  }
0x5: {  	s16 =	simm.s32 $0x0;
	s17 =	simm.s32 $0x0;
	s1 =	sor.u32 s2, s1  }
0x6: {  	s10 =	simm.s32 $0x0;
	s11 =	simm.s32 $0x0;
	s2 =	sand.u32 $0x380, s1  }
0x7: {  	s14 =	simm.s32 $0x0;
	s4 =	sadd.s32 $0x333000, s4;
	s5 =	ssub.s32 $0x400, s2  }
0x8: {  	s1 =	rddreg [dreg:$0x2];
	_ =	strace $0x8000004A;
	s6 =	sand.u32 $0x380, s5  }
.Ltmp0:
0x9: {  	p0 =	sne.s32 s6, $0x0;
	s6 =	simm.s32 $0x1;
	(pc) =	sbr.rel .LBB1_1-.Ltmp0, $4  }
0xa: {  	s7 =	sshrl.u32 s5, $0xA;
	s5 =	simm.s32 $0x1;
	s6 =	simm.s32 @!p0 $0x0  }
0xb: {  	s12 =	smov.u32 s2;
	[sflag:s5] =	ssyncpa.u1 $0x0;
	s6 =	sadd.s32 s6, s7  }
0xc: {  	[sflag:s8] =	ssyncpa.u1 $0x0;
	s7 =	sand.u32 $0x3, s0;
	s6 =	sshll.u32 s6, $0x5  }
0xd: {  	p0 =	por $0x0, $0x0;
	s13 =	smov.u32 s7;
	s8 =	sor.u32 $0x1, s6  }
.LBB1_4:
0xe: {  	v5 =	vld [tilespmem:s21+$0xFFFFFFD0];
	[tilespmem:s22+$0x2040 ss:$0x81] =	vst.msk $0xffff, v1  }
0xf: {  	v58 =	vld [tilespmem:s21+$0xFFFFFFE0];
	[tilespmem:s22+$0x2850 ss:$0x81] =	vst.msk $0xffff, v2  }
0x10: {  	s23 =	sshra.s32 s23, $0x2;
	v59 =	vld [tilespmem:s21+$0xFFFFFFF0];
	[tilespmem:s22+$0x3060 ss:$0x81] =	vst.msk $0xffff, v3  }
0x11: {  	v60 =	vld [tilespmem:s21+$0x0];
	[tilespmem:s22+$0x0 ss:$0x81] =	vst.msk $0xffff, v0;
	s20 =	sadd.s32 s23, s20  }
0x12: {  	v61 =	vld [tilespmem:s21+$0x10];
	s25 =	sand.u32 $0x78, s16;
	[tilespmem:s20+$0x3870 ss:$0x81] =	vst.msk $0xffff, v4  }
0x13: {  	v62 =	vld [tilespmem:s21+$0x20];
	s26 =	sshll.u32 s18, $0xA;
	s24 =	sshll.u32 s16, $0x3;
	s27 =	sshll.u32 s18, $0x7;
	[tilespmem:s20+$0x810 ss:$0x81] =	vst.msk $0xffff, v5  }
0x14: {  	v63 =	vld [tilespmem:s21+$0xFFFFFFC0];
	s17 =	sshll.u32 s17, $0x13;
	s15 =	sshll.u32 s15, $0xB;
	s30 =	sand.u32 $0x7, s16;
	[tilespmem:s20+$0x1020 ss:$0x81] =	vst.msk $0xffff, v58  }
0x15: {  	s28 =	sand.u32 $0x2000, s26;
	s29 =	sand.u32 $0x3C00, s24;
	s18 =	sand.u32 $0x380, s27;
	[tilespmem:s20+$0x1830 ss:$0x81] =	vst.msk $0xffff, v59  }
0x16: {  	s17 =	sadd.s32 s3, s17;
	s21 =	sadd.s32 s29, s28;
	s18 =	sor.u32 s25, s18;
	[tilespmem:s20+$0x2040 ss:$0x81] =	vst.msk $0xffff, v60  }
0x17: {  	s15 =	sadd.s32 s15, s17;
	s21 =	sshrl.u32 s21, $0x3;
	s18 =	sshrl.u32 s18, $0x3;
	[tilespmem:s20+$0x2850 ss:$0x81] =	vst.msk $0xffff, v61  }
0x18: {  	s16 =	sshll.u32 s30, $0x12;
	s31 =	sand.u32 $0x780, s21;
	s15 =	sadd.s32 s18, s15;
	[tilespmem:s20+$0x3060 ss:$0x81] =	vst.msk $0xffff, v62  }
0x19: {  	s16 =	sor.u32 $0x80, s16;
	[tilespmem:s20+$0x0 ss:$0x81] =	vst.msk $0xffff, v63;
	s15 =	sadd.s32 s31, s15  }
0x1a: {  	[hbm4b:s15+s16] =	stream.strided.scatter [tilespmem:s19], [sflag:$0x2], $0x4000, s9, s16, $0x20;
	[tilespmem:$0x10100] =	vst v63  }
.LBB1_5:
0x1b: {  	s19 =	sadd.s32 $0x80, s10  }
0x1c: {  	s15 =	simm.s32 $0x1;
	p2 =	sgt.s32 s19, $0xFF  }
0x1d: {  	s15 =	simm.s32 @!p2 $0x0  }
0x1e: {  	s20 =	sadd.s32 s15, s11  }
0x1f: {  	s21 =	smov.u32 s12;
	s15 =	sadd.s32 $0x400, s12;
	p3 =	sgt.s32 s20, $0xF  }
0x20: {  	s21 =	smov.u32 @p3 s15  }
0x21: {  	s22 =	smov.u32 s13;
	s15 =	sadd.s32 $0x4, s13;
	p4 =	sgt.s32 s21, $0x3FF  }
0x22: {  	p1 =	slt.u32 s14, $0x2;
	s22 =	smov.u32 @p4 s15  }
0x23: {  	s18 =	smov.u32 s11;
	s19 =	simm.s32 @p2 $0x0;
	p2 =	sgt.s32 s22, $0x3  }
0x24: {  	s23 =	simm.s32 @!p1 $0x2;
	s22 =	smov.u32 @p2 s7;
	p2 =	sne.s32 s14, s8  }
.Ltmp1:
0x25: {  	s16 =	smov.u32 s12;
	_ =	swait.ge @!p1 [sflag:s23], $0x4000;
	(pc) =	sbr.rel @!p2 .LBB1_6-.Ltmp1, $4  }
0x26: {  	s17 =	smov.u32 s13;
	[sflag:s23] =	ssyncset.done @!p1 $0x0;
	s20 =	simm.s32 @p3 $0x0  }
0x27: {  	p0 =	por !p0, !p0;
	[sflag:s23] =	ssyncadd.s32 @!p1 $0xFFFFC000;
	s11 =	smov.u32 s20  }
0x28: {  	s21 =	smov.u32 @p4 s2;
	s15 =	smov.u32 s10;
	s10 =	smov.u32 s19  }
0x29: {  	s12 =	smov.u32 s21;
	s14 =	sadd.s32 $0x1, s14;
	s13 =	smov.u32 s22  }
.LBB1_1:
0x2a: {  	p1 =	sge.u32 s14, s6;
	s31 =	sadd.s32 $0xFFFFFFFF, s14  }
0x2b: {  	s19 =	sxor.u32 @!p1 $0xFFFFFFFF, s14;
	s20 =	sand.u32 @!p1 $0x78, s10;
	s21 =	sshll.u32 @!p1 s11, $0x8  }
0x2c: {  	s22 =	sshll.u32 @!p1 s10, $0x3;
	s23 =	sshll.u32 @!p1 s11, $0x7;
	s19 =	sshll.u32 @!p1 s19, $0xE  }
0x2d: {  	s21 =	sand.u32 @!p1 $0x800, s21;
	s22 =	sand.u32 @!p1 $0xC00, s22;
	s19 =	sand.u32 @!p1 $0x4000, s19  }
0x2e: {  	s21 =	sadd.s32 @!p1 s21, s22;
	s22 =	sand.u32 @!p1 $0x300, s23;
	s23 =	sand.u32 @!p1 $0x80, s23  }
0x2f: {  	s21 =	sor.u32 @!p1 s22, s21;
	s20 =	sor.u32 @!p1 s20, s23;
	s22 =	sshll.u32 @!p1 s13, $0x13  }
0x30: {  	s23 =	sshll.u32 @!p1 s12, $0x9;
	s21 =	sshrl.u32 @!p1 s21, $0x3;
	s22 =	sadd.s32 @!p1 s4, s22  }
0x31: {  	s20 =	sshrl.u32 @!p1 s20, $0x3;
	s22 =	sadd.s32 @!p1 s23, s22;
	s23 =	sand.u32 @!p1 $0x7, s10  }
0x32: {  	s21 =	sand.u32 @!p1 $0x1E0, s21;
	s20 =	sadd.s32 @!p1 s20, s22;
	s22 =	sshll.u32 @!p1 s23, $0x12  }
0x33: {  	s20 =	sadd.s32 @!p1 s21, s20;
	s21 =	sor.u32 @!p1 $0x80, s22;
	s22 =	simm.s32 @!p1 $0x1000  }
0x34: {  	[tilespmem:s19], [sflag:$0x1] =	stream.strided.gather @!p1 [hbm4b:s20+s21], $0x4000, s22, s21, $0x38;
	[tilespmem:$0x10100] =	vst v63  }
0x35: {  	p1 =	sge.u32 s31, s6  }
.Ltmp2:
0x36: {  	_ = 	snop;
	(pc) =	sbr.rel @p1 .LBB1_5-.Ltmp2, $1  }
0x37: {  	_ =	sdelay $0x3  }
0x38: {  	s19 =	simm.s32 $0x1  }
0x39: {  	_ =	swait.ge [sflag:s5], $0x4000;
	s19 =	simm.s32 @!p0 $0x0  }
0x3a: {  	[sflag:s5] =	ssyncset.done $0x0;
	s20 =	sshll.u32 s19, $0xE  }
0x3b: {  	[sflag:s5] =	ssyncadd.s32 $0xFFFFC000;
	s21 =	sor.u32 $0x40, s20  }
0x3c: {  	s19 =	smul.u32 $0x10200, s19;
	v0 =	vld [tilespmem:s21+$0x30]  }
0x3d: {  	v3 =	vld [tilespmem:s21+$0xFFFFFFD0]  }
0x3e: {  	s19 =	sshrl.u32 s19, $0x2;
	v4 =	vld [tilespmem:s21+$0xFFFFFFE0]  }
0x3f: {  	v5 =	vld [tilespmem:s21+$0xFFFFFFF0];
	s20 =	sor.u32 $0x8000, s19  }
0x40: {  	s31 =	sand.u32 $0x1, s14;
	v1 =	vld [tilespmem:s21+$0x0];
	s22 =	sadd.s32 $0x0, s20  }
0x41: {  	v2 =	vld [tilespmem:s21+$0x10];
	s19 =	smul.u32 $0x10200, s31;
	[tilespmem:s22+$0x3870 ss:$0x81] =	vst.msk $0xffff, v0  }
0x42: {  	[tilespmem:s22+$0x810 ss:$0x81] =	vst.msk $0xffff, v3;
	v3 =	vld [tilespmem:s21+$0x20]  }
0x43: {  	s19 =	sshrl.u32 s19, $0x2;
	v0 =	vld [tilespmem:s21+$0xFFFFFFC0];
	[tilespmem:s22+$0x1020 ss:$0x81] =	vst.msk $0xffff, v4;
	s21 =	sadd.s32 $0x80, s21  }
0x44: {  	s23 =	simm.s32 $0x4;
	s24 =	simm.s32 $0x8;
	s19 =	sor.u32 $0x8000, s19;
	[tilespmem:s22+$0x1830 ss:$0x81] =	vst.msk $0xffff, v5;
	v4 =	vld [tilespmem:s21+$0x30]  }
.LBB1_3:
0x45: {  	p1 =	sne.s32 s24, $0x1FC;
	v5 =	vld [tilespmem:s21+$0xFFFFFFD0];
	[tilespmem:s22+$0x2040 ss:$0x81] =	vst.msk $0xffff, v1  }
0x46: {  	v6 =	vld [tilespmem:s21+$0xFFFFFFE0];
	[tilespmem:s22+$0x2850 ss:$0x81] =	vst.msk $0xffff, v2  }
0x47: {  	s25 =	sshra.s32 s23, $0x2;
	s23 =	smov.u32 s24;
	v7 =	vld [tilespmem:s21+$0xFFFFFFF0];
	[tilespmem:s22+$0x3060 ss:$0x81] =	vst.msk $0xffff, v3  }
.Ltmp3:
0x48: {  	v1 =	vld [tilespmem:s21+$0x0];
	[tilespmem:s22+$0x0 ss:$0x81] =	vst.msk $0xffff, v0;
	s22 =	sadd.s32 s25, s20;
	(pc) =	sbr.rel @p1 .LBB1_3-.Ltmp3, $4  }
0x49: {  	v2 =	vld [tilespmem:s21+$0x10];
	[tilespmem:s22+$0x3870 ss:$0x81] =	vst.msk $0xffff, v4  }
0x4a: {  	[tilespmem:s22+$0x810 ss:$0x81] =	vst.msk $0xffff, v5;
	v3 =	vld [tilespmem:s21+$0x20]  }
0x4b: {  	v0 =	vld [tilespmem:s21+$0xFFFFFFC0];
	[tilespmem:s22+$0x1020 ss:$0x81] =	vst.msk $0xffff, v6;
	s21 =	sadd.s32 $0x80, s21  }
0x4c: {  	s24 =	sadd.s32 $0x4, s24;
	v4 =	vld [tilespmem:s21+$0x30];
	[tilespmem:s22+$0x1830 ss:$0x81] =	vst.msk $0xffff, v7  }
.Ltmp4:
0x4d: {  	_ = 	snop;
	(pc) =	sbr.rel .LBB1_4-.Ltmp4, $1  }
0x4e: {  	_ =	sdelay $0x3  }
.LBB1_6:
0x4f: {  	_ =	sfence.sel $0x180000  }
0x50: {  	s2 =	simm.s32 $0x1;
	[bflag:$0x0] =	sbarrier.arrive $0xFFFF  }
0x51: {  	s31 =	simm.s32 $0x2;
	[sflag:s2] =	ssyncpa.u1 $0x1  }
0x52: {  	[sflag:s31] =	ssyncpa.u1 $0x1  }
0x53: {  	p0 =	sne.s32 s0, $0x0;
	_ =	strace $0x9000004A  }
0x54: {  	s0 =	sadd.s32 @!p0 $0x100000, s1;
	[bflag:$0x2] =	sbarrier.arrive $0xFFFF  }
0x55: {  	[sflag:s0] =	ssyncadd.tile.s32 @!p0 $0x1;
	_ =	shalt  }
.Lfunc_end1:
_tile_overlayer_lowered:
.L_overlay_start_2:
0x56: {  	(tag) =	ssettag $0x2  }
0x57: {  	s0 =	rddreg [dreg:$0x0];
	s2 =	stileid.u32  }
0x58: {  	s1 =	rddreg [dreg:$0x1];
	p0 =	sne.s32 s2, $0x0  }
0x59: {  	s3 =	rddreg [dreg:$0x2];
	[bflag:$0x3] =	sbarrier.arrive $0xFFFF;
	s2 =	simm.s32 @!p0 $0x1C01  }
0x5a: {  	[timem:s3], [sflag:s2] =	dma.local @!p0 [hbm:s0], s1  }
0x5b: {  	s0 =	simm.s32 @!p0 $0x1  }
0x5c: {  	_ =	swait.ge @!p0 [sflag:s0], s1  }
0x5d: {  	s1 =	ssub.s32 @!p0 $0x0, s1;
	[sflag:s0] =	ssyncset.done @!p0 $0x0  }
0x5e: {  	[sflag:s0] =	ssyncadd.s32 @!p0 s1  }
0x5f: {  	[bflag:$0x3] =	sbarrier.arrive $0xFFFF  }
0x60: {  	_ =	shalt  }

</sc_bundles>
